<compile_context>
chip_gen: v7x
topology: tpu7x:2x2x1
jax: 0.10.2.dev20260603
libtpu: 0.0.44.dev20260713+nightly
codegen_flags: <defaults>
</compile_context>

<pallas_src>
import functools

import jax
import jax.numpy as jnp
from jax import lax
from jax.experimental import pallas as pl
from jax.experimental.pallas import tpu as pltpu
from jax.experimental.pallas import tpu_sc as plsc

NC = 2
NS = 16
NW = NC * NS

B_PER_CHUNK = 16


@functools.partial(jax.jit, static_argnums=(2, 3, 4))
def _sc_gather(idx, table, batch, hist, h_pad):
    d = table.shape[1]
    b_per_w = batch // NW
    group = idx.shape[2]
    chunk_flat = hist * B_PER_CHUNK
    n_gather = chunk_flat // group
    n_chunk = b_per_w // B_PER_CHUNK
    mesh = plsc.VectorSubcoreMesh(core_axis_name="c", subcore_axis_name="s")

    @functools.partial(
        pl.kernel,
        out_type=jax.ShapeDtypeStruct((batch * h_pad, 128), jnp.float32),
        mesh=mesh,
        scratch_types=[
            pltpu.VMEM((idx.shape[1], group), jnp.int32),
            pltpu.VMEM((2, chunk_flat, d), jnp.float32),
            pltpu.SemaphoreType.DMA,
            pltpu.SemaphoreType.DMA,
            pltpu.SemaphoreType.DMA,
            pltpu.SemaphoreType.DMA,
        ],
        compiler_params=pltpu.CompilerParams(use_tc_tiling_on_sc=False),
    )
    def k(idx_hbm, table_hbm, out_hbm, idx_v, rows_v, gsem0, gsem1, wsem0, wsem1):
        gsem = (gsem0, gsem1)
        wsem = (wsem0, wsem1)
        wid = lax.axis_index("s") * NC + lax.axis_index("c")
        b0 = wid * b_per_w
        pltpu.sync_copy(idx_hbm.at[wid], idx_v)

        def fire_gathers(cc, b):
            for j in range(n_gather):
                pltpu.async_copy(
                    table_hbm.at[idx_v.at[cc * n_gather + j]],
                    rows_v.at[b, pl.ds(j * group, group)],
                    gsem[b],
                )

        def wait_gathers(b):
            pltpu.make_async_copy(
                out_hbm.at[pl.ds(0, chunk_flat), pl.ds(0, d)],
                rows_v.at[b],
                gsem[b],
            ).wait()

        def fire_write(cc, b):
            for i in range(B_PER_CHUNK):
                pltpu.async_copy(
                    rows_v.at[b, pl.ds(i * hist, hist)],
                    out_hbm.at[
                        pl.ds((b0 + cc * B_PER_CHUNK + i) * h_pad, hist),
                        pl.ds(0, d),
                    ],
                    wsem[b],
                )

        def wait_write(b):
            pltpu.make_async_copy(
                rows_v.at[b],
                out_hbm.at[pl.ds(0, B_PER_CHUNK * hist), pl.ds(0, d)],
                wsem[b],
            ).wait()

        fire_gathers(0, 0)

        @pl.loop(0, n_chunk, step=2)
        def _(c):
            @pl.when(c > 0)
            def _():
                wait_write(1)

            fire_gathers(c + 1, 1)
            wait_gathers(0)
            fire_write(c, 0)

            @pl.when(c + 2 < n_chunk)
            def _():
                wait_write(0)
                fire_gathers(c + 2, 0)

            wait_gathers(1)
            fire_write(c + 1, 1)

        wait_write(0)
        wait_write(1)

    return k(idx, table)


def kernel(indices, table):
    batch, hist = indices.shape
    v, d = table.shape
    h_pad = ((hist + 7) // 8) * 8
    group = hist * 2
    n_grp = batch * hist // NW // group
    idx = indices.reshape(NW, n_grp, group)
    out_p = _sc_gather(idx, table, batch, hist, h_pad)
    return out_p.reshape(batch, h_pad, 128)[:, :hist, :d]

# --- scband reference (transcript-rebuilt; emitter-appended) ---
"""Pipeline reference for scband-base-10419590660737 (READ-ONLY COPY).

The authoritative reference and input builder live on the scoring server;
editing this copy changes nothing except your own understanding.
"""

import jax, jax.numpy as jnp
import numpy as np

VOCAB = 1000000
EMB_DIM = 64
BATCH = 16384
HIST = 50

def setup_inputs(seed: int = 0) -> dict:
    key = jax.random.key(seed)
    k_idx, k_tab = jax.random.split(key)
    indices = jax.random.randint(k_idx, (BATCH, HIST), 0, VOCAB, dtype=jnp.int64 if jax.config.jax_enable_x64 else jnp.int32).astype(jnp.int32)
    table = jax.random.normal(k_tab, (VOCAB, EMB_DIM), dtype=jnp.float32)
    return {"indices": indices, "table": table}

def reference(indices, table):
    # Faithful translation of nn.Embedding lookup: embed(indices)
    return jnp.take(table, indices, axis=0)

if __name__ == "__main__":
    import jax
    _d = setup_inputs()
    print(jax.jit(kernel)(*tuple(_d.values())))

</pallas_src>

<mosaic_0001>
#map = affine_map<(d0, d1) -> (0, 0, 0)>
#map1 = affine_map<(d0, d1) -> (0, 0)>
module attributes {stable_mosaic.version = 14 : i64} {
  func.func @k(%arg0: i32, %arg1: i32, %arg2: memref<32x256x100xi32, #tpu.memory_space<hbm>>, %arg3: memref<1000000x64xf32, #tpu.memory_space<hbm>>, %arg4: memref<917504x128xf32, #tpu.memory_space<hbm>>, %arg5: memref<256x100xi32, #tpu.memory_space<vmem>>, %arg6: memref<2x800x64xf32, #tpu.memory_space<vmem>>, %arg7: memref<!tpu.dma_semaphore, #tpu.memory_space<semaphore_mem>>, %arg8: memref<!tpu.dma_semaphore, #tpu.memory_space<semaphore_mem>>, %arg9: memref<!tpu.dma_semaphore, #tpu.memory_space<semaphore_mem>>, %arg10: memref<!tpu.dma_semaphore, #tpu.memory_space<semaphore_mem>>) attributes {dimension_semantics = [#tpu.dimension_semantics<core_parallel>, #tpu.dimension_semantics<subcore_parallel>], iteration_bounds = array<i64: 2, 16>, scalar_prefetch = 0 : i64, scratch_operands = 6 : i64, tpu.core_type = #tpu.core_type<sc_vector_subcore>, window_params = [{transform_indices = #map}, {transform_indices = #map1}, {transform_indices = #map1}]} {
    %mul3A = arith.constant 2 : i32
    %mul3A_0 = arith.muli %arg1, %mul3A : i32
    %add3A = arith.addi %mul3A_0, %arg0 : i32
    %mul3A_1 = arith.constant 512 : i32
    %mul3A_2 = arith.muli %add3A, %mul3A_1 : i32
    "tpu.region"() ({
      %run_scoped3A = tpu.sem_alloc : memref<!tpu.dma_semaphore, #tpu.memory_space<semaphore_mem>>
      %dma_start3A_131 = arith.constant 0 : i32
      %dma_start3A_132 = arith.constant 0 : i32
      %dma_start3A_133 = tpu.memref_slice %arg2[%add3A, %dma_start3A_131, %dma_start3A_132] : memref<32x256x100xi32, #tpu.memory_space<hbm>> -> memref<1x256x100xi32, #tpu.memory_space<hbm>>
      %dma_start3A_134 = tpu.memref_squeeze %dma_start3A_133 : memref<1x256x100xi32, #tpu.memory_space<hbm>> -> memref<256x100xi32, #tpu.memory_space<hbm>>
      %dma_start3A_135 = arith.constant 0 : i32
      %dma_start3A_136 = arith.constant 0 : i32
      %dma_start3A_137 = tpu.memref_slice %arg2[%add3A, %dma_start3A_135, %dma_start3A_136] : memref<32x256x100xi32, #tpu.memory_space<hbm>> -> memref<1x256x100xi32, #tpu.memory_space<hbm>>
      %dma_start3A_138 = tpu.memref_squeeze %dma_start3A_137 : memref<1x256x100xi32, #tpu.memory_space<hbm>> -> memref<256x100xi32, #tpu.memory_space<hbm>>
      tpu.enqueue_dma source(%dma_start3A_138 : memref<256x100xi32, #tpu.memory_space<hbm>>) target(%arg5 : memref<256x100xi32, #tpu.memory_space<vmem>>) target_semaphore(%run_scoped3A : memref<!tpu.dma_semaphore, #tpu.memory_space<semaphore_mem>>)
      %dma_wait3A_139 = arith.constant 0 : i32
      %dma_wait3A_140 = arith.constant 0 : i32
      %dma_wait3A_141 = tpu.memref_slice %arg2[%add3A, %dma_wait3A_139, %dma_wait3A_140] : memref<32x256x100xi32, #tpu.memory_space<hbm>> -> memref<1x256x100xi32, #tpu.memory_space<hbm>>
      %dma_wait3A_142 = tpu.memref_squeeze %dma_wait3A_141 : memref<1x256x100xi32, #tpu.memory_space<hbm>> -> memref<256x100xi32, #tpu.memory_space<hbm>>
      %dma_wait3A_143 = arith.constant 0 : i32
      %dma_wait3A_144 = arith.constant 0 : i32
      %dma_wait3A_145 = tpu.memref_slice %arg2[%add3A, %dma_wait3A_143, %dma_wait3A_144] : memref<32x256x100xi32, #tpu.memory_space<hbm>> -> memref<1x256x100xi32, #tpu.memory_space<hbm>>
      %dma_wait3A_146 = tpu.memref_squeeze %dma_wait3A_145 : memref<1x256x100xi32, #tpu.memory_space<hbm>> -> memref<256x100xi32, #tpu.memory_space<hbm>>
      tpu.wait_dma2 semaphore(%run_scoped3A : memref<!tpu.dma_semaphore, #tpu.memory_space<semaphore_mem>>) src(%dma_wait3A_146 : memref<256x100xi32, #tpu.memory_space<hbm>>) dst(%arg5 : memref<256x100xi32, #tpu.memory_space<vmem>>)
      tpu.yield
    }) : () -> ()
    %dma_start3A = arith.constant 0 : i32
    %dma_start3A_3 = arith.constant 0 : i32
    %dma_start3A_4 = arith.constant 0 : i32
    %dma_start3A_5 = arith.constant 0 : i32
    %dma_start3A_6 = tpu.memref_slice %arg6[%dma_start3A_3, %dma_start3A_4, %dma_start3A_5] : memref<2x800x64xf32, #tpu.memory_space<vmem>> -> memref<1x100x64xf32, #tpu.memory_space<vmem>>
    %dma_start3A_7 = tpu.memref_squeeze %dma_start3A_6 : memref<1x100x64xf32, #tpu.memory_space<vmem>> -> memref<100x64xf32, #tpu.memory_space<vmem>>
    %dma_start3A_8 = arith.constant 0 : i32
    %dma_start3A_9 = tpu.memref_slice %arg5[%dma_start3A, %dma_start3A_8] : memref<256x100xi32, #tpu.memory_space<vmem>> -> memref<1x100xi32, #tpu.memory_space<vmem>>
    %dma_start3A_10 = tpu.memref_squeeze %dma_start3A_9 : memref<1x100xi32, #tpu.memory_space<vmem>> -> memref<100xi32, #tpu.memory_space<vmem>>
    %dma_start3A_11 = arith.constant 0 : i32
    %dma_start3A_12 = arith.constant 0 : i32
    %dma_start3A_13 = tpu.memref_slice %arg3[%dma_start3A_11, %dma_start3A_12] : memref<1000000x64xf32, #tpu.memory_space<hbm>> -> memref<1000000x64xf32, #tpu.memory_space<hbm>>
    tpu.enqueue_indirect_dma source(%dma_start3A_13 : memref<1000000x64xf32, #tpu.memory_space<hbm>>) target(%dma_start3A_7 : memref<100x64xf32, #tpu.memory_space<vmem>>) offsets(%dma_start3A_10 : memref<100xi32, #tpu.memory_space<vmem>>) semaphore(%arg7 : memref<!tpu.dma_semaphore, #tpu.memory_space<semaphore_mem>>)
    %dma_start3A_14 = arith.constant 1 : i32
    %dma_start3A_15 = arith.constant 0 : i32
    %dma_start3A_16 = arith.constant 100 : i32
    %dma_start3A_17 = arith.constant 0 : i32
    %dma_start3A_18 = tpu.memref_slice %arg6[%dma_start3A_15, %dma_start3A_16, %dma_start3A_17] : memref<2x800x64xf32, #tpu.memory_space<vmem>> -> memref<1x100x64xf32, #tpu.memory_space<vmem>>
    %dma_start3A_19 = tpu.memref_squeeze %dma_start3A_18 : memref<1x100x64xf32, #tpu.memory_space<vmem>> -> memref<100x64xf32, #tpu.memory_space<vmem>>
    %dma_start3A_20 = arith.constant 0 : i32
    %dma_start3A_21 = tpu.memref_slice %arg5[%dma_start3A_14, %dma_start3A_20] : memref<256x100xi32, #tpu.memory_space<vmem>> -> memref<1x100xi32, #tpu.memory_space<vmem>>
    %dma_start3A_22 = tpu.memref_squeeze %dma_start3A_21 : memref<1x100xi32, #tpu.memory_space<vmem>> -> memref<100xi32, #tpu.memory_space<vmem>>
    %dma_start3A_23 = arith.constant 0 : i32
    %dma_start3A_24 = arith.constant 0 : i32
    %dma_start3A_25 = tpu.memref_slice %arg3[%dma_start3A_23, %dma_start3A_24] : memref<1000000x64xf32, #tpu.memory_space<hbm>> -> memref<1000000x64xf32, #tpu.memory_space<hbm>>
    tpu.enqueue_indirect_dma source(%dma_start3A_25 : memref<1000000x64xf32, #tpu.memory_space<hbm>>) target(%dma_start3A_19 : memref<100x64xf32, #tpu.memory_space<vmem>>) offsets(%dma_start3A_22 : memref<100xi32, #tpu.memory_space<vmem>>) semaphore(%arg7 : memref<!tpu.dma_semaphore, #tpu.memory_space<semaphore_mem>>)
    %dma_start3A_26 = arith.constant 2 : i32
    %dma_start3A_27 = arith.constant 0 : i32
    %dma_start3A_28 = arith.constant 200 : i32
    %dma_start3A_29 = arith.constant 0 : i32
    %dma_start3A_30 = tpu.memref_slice %arg6[%dma_start3A_27, %dma_start3A_28, %dma_start3A_29] : memref<2x800x64xf32, #tpu.memory_space<vmem>> -> memref<1x100x64xf32, #tpu.memory_space<vmem>>
    %dma_start3A_31 = tpu.memref_squeeze %dma_start3A_30 : memref<1x100x64xf32, #tpu.memory_space<vmem>> -> memref<100x64xf32, #tpu.memory_space<vmem>>
    %dma_start3A_32 = arith.constant 0 : i32
    %dma_start3A_33 = tpu.memref_slice %arg5[%dma_start3A_26, %dma_start3A_32] : memref<256x100xi32, #tpu.memory_space<vmem>> -> memref<1x100xi32, #tpu.memory_space<vmem>>
    %dma_start3A_34 = tpu.memref_squeeze %dma_start3A_33 : memref<1x100xi32, #tpu.memory_space<vmem>> -> memref<100xi32, #tpu.memory_space<vmem>>
    %dma_start3A_35 = arith.constant 0 : i32
    %dma_start3A_36 = arith.constant 0 : i32
    %dma_start3A_37 = tpu.memref_slice %arg3[%dma_start3A_35, %dma_start3A_36] : memref<1000000x64xf32, #tpu.memory_space<hbm>> -> memref<1000000x64xf32, #tpu.memory_space<hbm>>
    tpu.enqueue_indirect_dma source(%dma_start3A_37 : memref<1000000x64xf32, #tpu.memory_space<hbm>>) target(%dma_start3A_31 : memref<100x64xf32, #tpu.memory_space<vmem>>) offsets(%dma_start3A_34 : memref<100xi32, #tpu.memory_space<vmem>>) semaphore(%arg7 : memref<!tpu.dma_semaphore, #tpu.memory_space<semaphore_mem>>)
    %dma_start3A_38 = arith.constant 3 : i32
    %dma_start3A_39 = arith.constant 0 : i32
    %dma_start3A_40 = arith.constant 300 : i32
    %dma_start3A_41 = arith.constant 0 : i32
    %dma_start3A_42 = tpu.memref_slice %arg6[%dma_start3A_39, %dma_start3A_40, %dma_start3A_41] : memref<2x800x64xf32, #tpu.memory_space<vmem>> -> memref<1x100x64xf32, #tpu.memory_space<vmem>>
    %dma_start3A_43 = tpu.memref_squeeze %dma_start3A_42 : memref<1x100x64xf32, #tpu.memory_space<vmem>> -> memref<100x64xf32, #tpu.memory_space<vmem>>
    %dma_start3A_44 = arith.constant 0 : i32
    %dma_start3A_45 = tpu.memref_slice %arg5[%dma_start3A_38, %dma_start3A_44] : memref<256x100xi32, #tpu.memory_space<vmem>> -> memref<1x100xi32, #tpu.memory_space<vmem>>
    %dma_start3A_46 = tpu.memref_squeeze %dma_start3A_45 : memref<1x100xi32, #tpu.memory_space<vmem>> -> memref<100xi32, #tpu.memory_space<vmem>>
    %dma_start3A_47 = arith.constant 0 : i32
    %dma_start3A_48 = arith.constant 0 : i32
    %dma_start3A_49 = tpu.memref_slice %arg3[%dma_start3A_47, %dma_start3A_48] : memref<1000000x64xf32, #tpu.memory_space<hbm>> -> memref<1000000x64xf32, #tpu.memory_space<hbm>>
    tpu.enqueue_indirect_dma source(%dma_start3A_49 : memref<1000000x64xf32, #tpu.memory_space<hbm>>) target(%dma_start3A_43 : memref<100x64xf32, #tpu.memory_space<vmem>>) offsets(%dma_start3A_46 : memref<100xi32, #tpu.memory_space<vmem>>) semaphore(%arg7 : memref<!tpu.dma_semaphore, #tpu.memory_space<semaphore_mem>>)
    %dma_start3A_50 = arith.constant 4 : i32
    %dma_start3A_51 = arith.constant 0 : i32
    %dma_start3A_52 = arith.constant 400 : i32
    %dma_start3A_53 = arith.constant 0 : i32
    %dma_start3A_54 = tpu.memref_slice %arg6[%dma_start3A_51, %dma_start3A_52, %dma_start3A_53] : memref<2x800x64xf32, #tpu.memory_space<vmem>> -> memref<1x100x64xf32, #tpu.memory_space<vmem>>
    %dma_start3A_55 = tpu.memref_squeeze %dma_start3A_54 : memref<1x100x64xf32, #tpu.memory_space<vmem>> -> memref<100x64xf32, #tpu.memory_space<vmem>>
    %dma_start3A_56 = arith.constant 0 : i32
    %dma_start3A_57 = tpu.memref_slice %arg5[%dma_start3A_50, %dma_start3A_56] : memref<256x100xi32, #tpu.memory_space<vmem>> -> memref<1x100xi32, #tpu.memory_space<vmem>>
    %dma_start3A_58 = tpu.memref_squeeze %dma_start3A_57 : memref<1x100xi32, #tpu.memory_space<vmem>> -> memref<100xi32, #tpu.memory_space<vmem>>
    %dma_start3A_59 = arith.constant 0 : i32
    %dma_start3A_60 = arith.constant 0 : i32
    %dma_start3A_61 = tpu.memref_slice %arg3[%dma_start3A_59, %dma_start3A_60] : memref<1000000x64xf32, #tpu.memory_space<hbm>> -> memref<1000000x64xf32, #tpu.memory_space<hbm>>
    tpu.enqueue_indirect_dma source(%dma_start3A_61 : memref<1000000x64xf32, #tpu.memory_space<hbm>>) target(%dma_start3A_55 : memref<100x64xf32, #tpu.memory_space<vmem>>) offsets(%dma_start3A_58 : memref<100xi32, #tpu.memory_space<vmem>>) semaphore(%arg7 : memref<!tpu.dma_semaphore, #tpu.memory_space<semaphore_mem>>)
    %dma_start3A_62 = arith.constant 5 : i32
    %dma_start3A_63 = arith.constant 0 : i32
    %dma_start3A_64 = arith.constant 500 : i32
    %dma_start3A_65 = arith.constant 0 : i32
    %dma_start3A_66 = tpu.memref_slice %arg6[%dma_start3A_63, %dma_start3A_64, %dma_start3A_65] : memref<2x800x64xf32, #tpu.memory_space<vmem>> -> memref<1x100x64xf32, #tpu.memory_space<vmem>>
    %dma_start3A_67 = tpu.memref_squeeze %dma_start3A_66 : memref<1x100x64xf32, #tpu.memory_space<vmem>> -> memref<100x64xf32, #tpu.memory_space<vmem>>
    %dma_start3A_68 = arith.constant 0 : i32
    %dma_start3A_69 = tpu.memref_slice %arg5[%dma_start3A_62, %dma_start3A_68] : memref<256x100xi32, #tpu.memory_space<vmem>> -> memref<1x100xi32, #tpu.memory_space<vmem>>
    %dma_start3A_70 = tpu.memref_squeeze %dma_start3A_69 : memref<1x100xi32, #tpu.memory_space<vmem>> -> memref<100xi32, #tpu.memory_space<vmem>>
    %dma_start3A_71 = arith.constant 0 : i32
    %dma_start3A_72 = arith.constant 0 : i32
    %dma_start3A_73 = tpu.memref_slice %arg3[%dma_start3A_71, %dma_start3A_72] : memref<1000000x64xf32, #tpu.memory_space<hbm>> -> memref<1000000x64xf32, #tpu.memory_space<hbm>>
    tpu.enqueue_indirect_dma source(%dma_start3A_73 : memref<1000000x64xf32, #tpu.memory_space<hbm>>) target(%dma_start3A_67 : memref<100x64xf32, #tpu.memory_space<vmem>>) offsets(%dma_start3A_70 : memref<100xi32, #tpu.memory_space<vmem>>) semaphore(%arg7 : memref<!tpu.dma_semaphore, #tpu.memory_space<semaphore_mem>>)
    %dma_start3A_74 = arith.constant 6 : i32
    %dma_start3A_75 = arith.constant 0 : i32
    %dma_start3A_76 = arith.constant 600 : i32
    %dma_start3A_77 = arith.constant 0 : i32
    %dma_start3A_78 = tpu.memref_slice %arg6[%dma_start3A_75, %dma_start3A_76, %dma_start3A_77] : memref<2x800x64xf32, #tpu.memory_space<vmem>> -> memref<1x100x64xf32, #tpu.memory_space<vmem>>
    %dma_start3A_79 = tpu.memref_squeeze %dma_start3A_78 : memref<1x100x64xf32, #tpu.memory_space<vmem>> -> memref<100x64xf32, #tpu.memory_space<vmem>>
    %dma_start3A_80 = arith.constant 0 : i32
    %dma_start3A_81 = tpu.memref_slice %arg5[%dma_start3A_74, %dma_start3A_80] : memref<256x100xi32, #tpu.memory_space<vmem>> -> memref<1x100xi32, #tpu.memory_space<vmem>>
    %dma_start3A_82 = tpu.memref_squeeze %dma_start3A_81 : memref<1x100xi32, #tpu.memory_space<vmem>> -> memref<100xi32, #tpu.memory_space<vmem>>
    %dma_start3A_83 = arith.constant 0 : i32
    %dma_start3A_84 = arith.constant 0 : i32
    %dma_start3A_85 = tpu.memref_slice %arg3[%dma_start3A_83, %dma_start3A_84] : memref<1000000x64xf32, #tpu.memory_space<hbm>> -> memref<1000000x64xf32, #tpu.memory_space<hbm>>
    tpu.enqueue_indirect_dma source(%dma_start3A_85 : memref<1000000x64xf32, #tpu.memory_space<hbm>>) target(%dma_start3A_79 : memref<100x64xf32, #tpu.memory_space<vmem>>) offsets(%dma_start3A_82 : memref<100xi32, #tpu.memory_space<vmem>>) semaphore(%arg7 : memref<!tpu.dma_semaphore, #tpu.memory_space<semaphore_mem>>)
    %dma_start3A_86 = arith.constant 7 : i32
    %dma_start3A_87 = arith.constant 0 : i32
    %dma_start3A_88 = arith.constant 700 : i32
    %dma_start3A_89 = arith.constant 0 : i32
    %dma_start3A_90 = tpu.memref_slice %arg6[%dma_start3A_87, %dma_start3A_88, %dma_start3A_89] : memref<2x800x64xf32, #tpu.memory_space<vmem>> -> memref<1x100x64xf32, #tpu.memory_space<vmem>>
    %dma_start3A_91 = tpu.memref_squeeze %dma_start3A_90 : memref<1x100x64xf32, #tpu.memory_space<vmem>> -> memref<100x64xf32, #tpu.memory_space<vmem>>
    %dma_start3A_92 = arith.constant 0 : i32
    %dma_start3A_93 = tpu.memref_slice %arg5[%dma_start3A_86, %dma_start3A_92] : memref<256x100xi32, #tpu.memory_space<vmem>> -> memref<1x100xi32, #tpu.memory_space<vmem>>
    %dma_start3A_94 = tpu.memref_squeeze %dma_start3A_93 : memref<1x100xi32, #tpu.memory_space<vmem>> -> memref<100xi32, #tpu.memory_space<vmem>>
    %dma_start3A_95 = arith.constant 0 : i32
    %dma_start3A_96 = arith.constant 0 : i32
    %dma_start3A_97 = tpu.memref_slice %arg3[%dma_start3A_95, %dma_start3A_96] : memref<1000000x64xf32, #tpu.memory_space<hbm>> -> memref<1000000x64xf32, #tpu.memory_space<hbm>>
    tpu.enqueue_indirect_dma source(%dma_start3A_97 : memref<1000000x64xf32, #tpu.memory_space<hbm>>) target(%dma_start3A_91 : memref<100x64xf32, #tpu.memory_space<vmem>>) offsets(%dma_start3A_94 : memref<100xi32, #tpu.memory_space<vmem>>) semaphore(%arg7 : memref<!tpu.dma_semaphore, #tpu.memory_space<semaphore_mem>>)
    %scan3A = arith.constant 0 : i32
    %scan3A_98 = arith.constant 16 : i32
    %scan3A_99 = arith.addi %scan3A, %scan3A_98 : i32
    %scan3A_100 = arith.constant 1 : i32
    scf.for %scan3A_131 = %scan3A to %scan3A_99 step %scan3A_100  : i32 {
      %mul3A_132 = arith.constant 2 : i32
      %mul3A_133 = arith.muli %scan3A_131, %mul3A_132 : i32
      %add3A_134 = arith.constant 0 : i32
      %add3A_135 = arith.addi %add3A_134, %mul3A_133 : i32
      %gt3A = arith.constant 0 : i32
      %gt3A_136 = arith.cmpi sgt, %add3A_135, %gt3A : i32
      %convert_element_type3A = arith.extui %gt3A_136 : i1 to i32
      %cond3A = arith.constant 0 : i32
      %cond3A_137 = arith.cmpi ne, %convert_element_type3A, %cond3A : i32
      scf.if %cond3A_137 {
        %dma_wait3A_938 = arith.constant 1 : i32
        %dma_wait3A_939 = arith.constant 0 : i32
        %dma_wait3A_940 = arith.constant 0 : i32
        %dma_wait3A_941 = tpu.memref_slice %arg6[%dma_wait3A_938, %dma_wait3A_939, %dma_wait3A_940] : memref<2x800x64xf32, #tpu.memory_space<vmem>> -> memref<1x800x64xf32, #tpu.memory_space<vmem>>
        %dma_wait3A_942 = tpu.memref_squeeze %dma_wait3A_941 : memref<1x800x64xf32, #tpu.memory_space<vmem>> -> memref<800x64xf32, #tpu.memory_space<vmem>>
        %dma_wait3A_943 = arith.constant 0 : i32
        %dma_wait3A_944 = arith.constant 0 : i32
        %dma_wait3A_945 = tpu.memref_slice %arg4[%dma_wait3A_943, %dma_wait3A_944] : memref<917504x128xf32, #tpu.memory_space<hbm>> -> memref<800x64xf32, #tpu.memory_space<hbm>>
        %dma_wait3A_946 = arith.constant 0 : i32
        %dma_wait3A_947 = arith.constant 0 : i32
        %dma_wait3A_948 = tpu.memref_slice %arg4[%dma_wait3A_946, %dma_wait3A_947] : memref<917504x128xf32, #tpu.memory_space<hbm>> -> memref<800x64xf32, #tpu.memory_space<hbm>>
        %dma_wait3A_949 = arith.constant 0 : i32
        %dma_wait3A_950 = arith.constant 0 : i32
        %dma_wait3A_951 = tpu.memref_slice %arg6[%dma_wait3A_938, %dma_wait3A_949, %dma_wait3A_950] : memref<2x800x64xf32, #tpu.memory_space<vmem>> -> memref<1x800x64xf32, #tpu.memory_space<vmem>>
        %dma_wait3A_952 = tpu.memref_squeeze %dma_wait3A_951 : memref<1x800x64xf32, #tpu.memory_space<vmem>> -> memref<800x64xf32, #tpu.memory_space<vmem>>
        tpu.wait_dma2 semaphore(%arg10 : memref<!tpu.dma_semaphore, #tpu.memory_space<semaphore_mem>>) src(%dma_wait3A_952 : memref<800x64xf32, #tpu.memory_space<vmem>>) dst(%dma_wait3A_948 : memref<800x64xf32, #tpu.memory_space<hbm>>)
      } else {
      }
      %add3A_138 = arith.constant 1 : i32
      %add3A_139 = arith.addi %add3A_135, %add3A_138 : i32
      %mul3A_140 = arith.constant 8 : i32
      %mul3A_141 = arith.muli %add3A_139, %mul3A_140 : i32
      %add3A_142 = arith.constant 0 : i32
      %add3A_143 = arith.addi %mul3A_141, %add3A_142 : i32
      %dma_start3A_144 = arith.constant 1 : i32
      %dma_start3A_145 = arith.constant 0 : i32
      %dma_start3A_146 = arith.constant 0 : i32
      %dma_start3A_147 = tpu.memref_slice %arg6[%dma_start3A_144, %dma_start3A_145, %dma_start3A_146] : memref<2x800x64xf32, #tpu.memory_space<vmem>> -> memref<1x100x64xf32, #tpu.memory_space<vmem>>
      %dma_start3A_148 = tpu.memref_squeeze %dma_start3A_147 : memref<1x100x64xf32, #tpu.memory_space<vmem>> -> memref<100x64xf32, #tpu.memory_space<vmem>>
      %dma_start3A_149 = arith.constant 0 : i32
      %dma_start3A_150 = tpu.memref_slice %arg5[%add3A_143, %dma_start3A_149] : memref<256x100xi32, #tpu.memory_space<vmem>> -> memref<1x100xi32, #tpu.memory_space<vmem>>
      %dma_start3A_151 = tpu.memref_squeeze %dma_start3A_150 : memref<1x100xi32, #tpu.memory_space<vmem>> -> memref<100xi32, #tpu.memory_space<vmem>>
      %dma_start3A_152 = arith.constant 0 : i32
      %dma_start3A_153 = arith.constant 0 : i32
      %dma_start3A_154 = tpu.memref_slice %arg3[%dma_start3A_152, %dma_start3A_153] : memref<1000000x64xf32, #tpu.memory_space<hbm>> -> memref<1000000x64xf32, #tpu.memory_space<hbm>>
      tpu.enqueue_indirect_dma source(%dma_start3A_154 : memref<1000000x64xf32, #tpu.memory_space<hbm>>) target(%dma_start3A_148 : memref<100x64xf32, #tpu.memory_space<vmem>>) offsets(%dma_start3A_151 : memref<100xi32, #tpu.memory_space<vmem>>) semaphore(%arg8 : memref<!tpu.dma_semaphore, #tpu.memory_space<semaphore_mem>>)
      %mul3A_155 = arith.constant 8 : i32
      %mul3A_156 = arith.muli %add3A_139, %mul3A_155 : i32
      %add3A_157 = arith.constant 1 : i32
      %add3A_158 = arith.addi %mul3A_156, %add3A_157 : i32
      %dma_start3A_159 = arith.constant 1 : i32
      %dma_start3A_160 = arith.constant 100 : i32
      %dma_start3A_161 = arith.constant 0 : i32
      %dma_start3A_162 = tpu.memref_slice %arg6[%dma_start3A_159, %dma_start3A_160, %dma_start3A_161] : memref<2x800x64xf32, #tpu.memory_space<vmem>> -> memref<1x100x64xf32, #tpu.memory_space<vmem>>
      %dma_start3A_163 = tpu.memref_squeeze %dma_start3A_162 : memref<1x100x64xf32, #tpu.memory_space<vmem>> -> memref<100x64xf32, #tpu.memory_space<vmem>>
      %dma_start3A_164 = arith.constant 0 : i32
      %dma_start3A_165 = tpu.memref_slice %arg5[%add3A_158, %dma_start3A_164] : memref<256x100xi32, #tpu.memory_space<vmem>> -> memref<1x100xi32, #tpu.memory_space<vmem>>
      %dma_start3A_166 = tpu.memref_squeeze %dma_start3A_165 : memref<1x100xi32, #tpu.memory_space<vmem>> -> memref<100xi32, #tpu.memory_space<vmem>>
      %dma_start3A_167 = arith.constant 0 : i32
      %dma_start3A_168 = arith.constant 0 : i32
      %dma_start3A_169 = tpu.memref_slice %arg3[%dma_start3A_167, %dma_start3A_168] : memref<1000000x64xf32, #tpu.memory_space<hbm>> -> memref<1000000x64xf32, #tpu.memory_space<hbm>>
      tpu.enqueue_indirect_dma source(%dma_start3A_169 : memref<1000000x64xf32, #tpu.memory_space<hbm>>) target(%dma_start3A_163 : memref<100x64xf32, #tpu.memory_space<vmem>>) offsets(%dma_start3A_166 : memref<100xi32, #tpu.memory_space<vmem>>) semaphore(%arg8 : memref<!tpu.dma_semaphore, #tpu.memory_space<semaphore_mem>>)
      %mul3A_170 = arith.constant 8 : i32
      %mul3A_171 = arith.muli %add3A_139, %mul3A_170 : i32
      %add3A_172 = arith.constant 2 : i32
      %add3A_173 = arith.addi %mul3A_171, %add3A_172 : i32
      %dma_start3A_174 = arith.constant 1 : i32
      %dma_start3A_175 = arith.constant 200 : i32
      %dma_start3A_176 = arith.constant 0 : i32
      %dma_start3A_177 = tpu.memref_slice %arg6[%dma_start3A_174, %dma_start3A_175, %dma_start3A_176] : memref<2x800x64xf32, #tpu.memory_space<vmem>> -> memref<1x100x64xf32, #tpu.memory_space<vmem>>
      %dma_start3A_178 = tpu.memref_squeeze %dma_start3A_177 : memref<1x100x64xf32, #tpu.memory_space<vmem>> -> memref<100x64xf32, #tpu.memory_space<vmem>>
      %dma_start3A_179 = arith.constant 0 : i32
      %dma_start3A_180 = tpu.memref_slice %arg5[%add3A_173, %dma_start3A_179] : memref<256x100xi32, #tpu.memory_space<vmem>> -> memref<1x100xi32, #tpu.memory_space<vmem>>
      %dma_start3A_181 = tpu.memref_squeeze %dma_start3A_180 : memref<1x100xi32, #tpu.memory_space<vmem>> -> memref<100xi32, #tpu.memory_space<vmem>>
      %dma_start3A_182 = arith.constant 0 : i32
      %dma_start3A_183 = arith.constant 0 : i32
      %dma_start3A_184 = tpu.memref_slice %arg3[%dma_start3A_182, %dma_start3A_183] : memref<1000000x64xf32, #tpu.memory_space<hbm>> -> memref<1000000x64xf32, #tpu.memory_space<hbm>>
      tpu.enqueue_indirect_dma source(%dma_start3A_184 : memref<1000000x64xf32, #tpu.memory_space<hbm>>) target(%dma_start3A_178 : memref<100x64xf32, #tpu.memory_space<vmem>>) offsets(%dma_start3A_181 : memref<100xi32, #tpu.memory_space<vmem>>) semaphore(%arg8 : memref<!tpu.dma_semaphore, #tpu.memory_space<semaphore_mem>>)
      %mul3A_185 = arith.constant 8 : i32
      %mul3A_186 = arith.muli %add3A_139, %mul3A_185 : i32
      %add3A_187 = arith.constant 3 : i32
      %add3A_188 = arith.addi %mul3A_186, %add3A_187 : i32
      %dma_start3A_189 = arith.constant 1 : i32
      %dma_start3A_190 = arith.constant 300 : i32
      %dma_start3A_191 = arith.constant 0 : i32
      %dma_start3A_192 = tpu.memref_slice %arg6[%dma_start3A_189, %dma_start3A_190, %dma_start3A_191] : memref<2x800x64xf32, #tpu.memory_space<vmem>> -> memref<1x100x64xf32, #tpu.memory_space<vmem>>
      %dma_start3A_193 = tpu.memref_squeeze %dma_start3A_192 : memref<1x100x64xf32, #tpu.memory_space<vmem>> -> memref<100x64xf32, #tpu.memory_space<vmem>>
      %dma_start3A_194 = arith.constant 0 : i32
      %dma_start3A_195 = tpu.memref_slice %arg5[%add3A_188, %dma_start3A_194] : memref<256x100xi32, #tpu.memory_space<vmem>> -> memref<1x100xi32, #tpu.memory_space<vmem>>
      %dma_start3A_196 = tpu.memref_squeeze %dma_start3A_195 : memref<1x100xi32, #tpu.memory_space<vmem>> -> memref<100xi32, #tpu.memory_space<vmem>>
      %dma_start3A_197 = arith.constant 0 : i32
      %dma_start3A_198 = arith.constant 0 : i32
      %dma_start3A_199 = tpu.memref_slice %arg3[%dma_start3A_197, %dma_start3A_198] : memref<1000000x64xf32, #tpu.memory_space<hbm>> -> memref<1000000x64xf32, #tpu.memory_space<hbm>>
      tpu.enqueue_indirect_dma source(%dma_start3A_199 : memref<1000000x64xf32, #tpu.memory_space<hbm>>) target(%dma_start3A_193 : memref<100x64xf32, #tpu.memory_space<vmem>>) offsets(%dma_start3A_196 : memref<100xi32, #tpu.memory_space<vmem>>) semaphore(%arg8 : memref<!tpu.dma_semaphore, #tpu.memory_space<semaphore_mem>>)
      %mul3A_200 = arith.constant 8 : i32
      %mul3A_201 = arith.muli %add3A_139, %mul3A_200 : i32
      %add3A_202 = arith.constant 4 : i32
      %add3A_203 = arith.addi %mul3A_201, %add3A_202 : i32
      %dma_start3A_204 = arith.constant 1 : i32
      %dma_start3A_205 = arith.constant 400 : i32
      %dma_start3A_206 = arith.constant 0 : i32
      %dma_start3A_207 = tpu.memref_slice %arg6[%dma_start3A_204, %dma_start3A_205, %dma_start3A_206] : memref<2x800x64xf32, #tpu.memory_space<vmem>> -> memref<1x100x64xf32, #tpu.memory_space<vmem>>
      %dma_start3A_208 = tpu.memref_squeeze %dma_start3A_207 : memref<1x100x64xf32, #tpu.memory_space<vmem>> -> memref<100x64xf32, #tpu.memory_space<vmem>>
      %dma_start3A_209 = arith.constant 0 : i32
      %dma_start3A_210 = tpu.memref_slice %arg5[%add3A_203, %dma_start3A_209] : memref<256x100xi32, #tpu.memory_space<vmem>> -> memref<1x100xi32, #tpu.memory_space<vmem>>
      %dma_start3A_211 = tpu.memref_squeeze %dma_start3A_210 : memref<1x100xi32, #tpu.memory_space<vmem>> -> memref<100xi32, #tpu.memory_space<vmem>>
      %dma_start3A_212 = arith.constant 0 : i32
      %dma_start3A_213 = arith.constant 0 : i32
      %dma_start3A_214 = tpu.memref_slice %arg3[%dma_start3A_212, %dma_start3A_213] : memref<1000000x64xf32, #tpu.memory_space<hbm>> -> memref<1000000x64xf32, #tpu.memory_space<hbm>>
      tpu.enqueue_indirect_dma source(%dma_start3A_214 : memref<1000000x64xf32, #tpu.memory_space<hbm>>) target(%dma_start3A_208 : memref<100x64xf32, #tpu.memory_space<vmem>>) offsets(%dma_start3A_211 : memref<100xi32, #tpu.memory_space<vmem>>) semaphore(%arg8 : memref<!tpu.dma_semaphore, #tpu.memory_space<semaphore_mem>>)
      %mul3A_215 = arith.constant 8 : i32
      %mul3A_216 = arith.muli %add3A_139, %mul3A_215 : i32
      %add3A_217 = arith.constant 5 : i32
      %add3A_218 = arith.addi %mul3A_216, %add3A_217 : i32
      %dma_start3A_219 = arith.constant 1 : i32
      %dma_start3A_220 = arith.constant 500 : i32
      %dma_start3A_221 = arith.constant 0 : i32
      %dma_start3A_222 = tpu.memref_slice %arg6[%dma_start3A_219, %dma_start3A_220, %dma_start3A_221] : memref<2x800x64xf32, #tpu.memory_space<vmem>> -> memref<1x100x64xf32, #tpu.memory_space<vmem>>
      %dma_start3A_223 = tpu.memref_squeeze %dma_start3A_222 : memref<1x100x64xf32, #tpu.memory_space<vmem>> -> memref<100x64xf32, #tpu.memory_space<vmem>>
      %dma_start3A_224 = arith.constant 0 : i32
      %dma_start3A_225 = tpu.memref_slice %arg5[%add3A_218, %dma_start3A_224] : memref<256x100xi32, #tpu.memory_space<vmem>> -> memref<1x100xi32, #tpu.memory_space<vmem>>
      %dma_start3A_226 = tpu.memref_squeeze %dma_start3A_225 : memref<1x100xi32, #tpu.memory_space<vmem>> -> memref<100xi32, #tpu.memory_space<vmem>>
      %dma_start3A_227 = arith.constant 0 : i32
      %dma_start3A_228 = arith.constant 0 : i32
      %dma_start3A_229 = tpu.memref_slice %arg3[%dma_start3A_227, %dma_start3A_228] : memref<1000000x64xf32, #tpu.memory_space<hbm>> -> memref<1000000x64xf32, #tpu.memory_space<hbm>>
      tpu.enqueue_indirect_dma source(%dma_start3A_229 : memref<1000000x64xf32, #tpu.memory_space<hbm>>) target(%dma_start3A_223 : memref<100x64xf32, #tpu.memory_space<vmem>>) offsets(%dma_start3A_226 : memref<100xi32, #tpu.memory_space<vmem>>) semaphore(%arg8 : memref<!tpu.dma_semaphore, #tpu.memory_space<semaphore_mem>>)
      %mul3A_230 = arith.constant 8 : i32
      %mul3A_231 = arith.muli %add3A_139, %mul3A_230 : i32
      %add3A_232 = arith.constant 6 : i32
      %add3A_233 = arith.addi %mul3A_231, %add3A_232 : i32
      %dma_start3A_234 = arith.constant 1 : i32
      %dma_start3A_235 = arith.constant 600 : i32
      %dma_start3A_236 = arith.constant 0 : i32
      %dma_start3A_237 = tpu.memref_slice %arg6[%dma_start3A_234, %dma_start3A_235, %dma_start3A_236] : memref<2x800x64xf32, #tpu.memory_space<vmem>> -> memref<1x100x64xf32, #tpu.memory_space<vmem>>
      %dma_start3A_238 = tpu.memref_squeeze %dma_start3A_237 : memref<1x100x64xf32, #tpu.memory_space<vmem>> -> memref<100x64xf32, #tpu.memory_space<vmem>>
      %dma_start3A_239 = arith.constant 0 : i32
      %dma_start3A_240 = tpu.memref_slice %arg5[%add3A_233, %dma_start3A_239] : memref<256x100xi32, #tpu.memory_space<vmem>> -> memref<1x100xi32, #tpu.memory_space<vmem>>
      %dma_start3A_241 = tpu.memref_squeeze %dma_start3A_240 : memref<1x100xi32, #tpu.memory_space<vmem>> -> memref<100xi32, #tpu.memory_space<vmem>>
      %dma_start3A_242 = arith.constant 0 : i32
      %dma_start3A_243 = arith.constant 0 : i32
      %dma_start3A_244 = tpu.memref_slice %arg3[%dma_start3A_242, %dma_start3A_243] : memref<1000000x64xf32, #tpu.memory_space<hbm>> -> memref<1000000x64xf32, #tpu.memory_space<hbm>>
      tpu.enqueue_indirect_dma source(%dma_start3A_244 : memref<1000000x64xf32, #tpu.memory_space<hbm>>) target(%dma_start3A_238 : memref<100x64xf32, #tpu.memory_space<vmem>>) offsets(%dma_start3A_241 : memref<100xi32, #tpu.memory_space<vmem>>) semaphore(%arg8 : memref<!tpu.dma_semaphore, #tpu.memory_space<semaphore_mem>>)
      %mul3A_245 = arith.constant 8 : i32
      %mul3A_246 = arith.muli %add3A_139, %mul3A_245 : i32
      %add3A_247 = arith.constant 7 : i32
      %add3A_248 = arith.addi %mul3A_246, %add3A_247 : i32
      %dma_start3A_249 = arith.constant 1 : i32
      %dma_start3A_250 = arith.constant 700 : i32
      %dma_start3A_251 = arith.constant 0 : i32
      %dma_start3A_252 = tpu.memref_slice %arg6[%dma_start3A_249, %dma_start3A_250, %dma_start3A_251] : memref<2x800x64xf32, #tpu.memory_space<vmem>> -> memref<1x100x64xf32, #tpu.memory_space<vmem>>
      %dma_start3A_253 = tpu.memref_squeeze %dma_start3A_252 : memref<1x100x64xf32, #tpu.memory_space<vmem>> -> memref<100x64xf32, #tpu.memory_space<vmem>>
      %dma_start3A_254 = arith.constant 0 : i32
      %dma_start3A_255 = tpu.memref_slice %arg5[%add3A_248, %dma_start3A_254] : memref<256x100xi32, #tpu.memory_space<vmem>> -> memref<1x100xi32, #tpu.memory_space<vmem>>
      %dma_start3A_256 = tpu.memref_squeeze %dma_start3A_255 : memref<1x100xi32, #tpu.memory_space<vmem>> -> memref<100xi32, #tpu.memory_space<vmem>>
      %dma_start3A_257 = arith.constant 0 : i32
      %dma_start3A_258 = arith.constant 0 : i32
      %dma_start3A_259 = tpu.memref_slice %arg3[%dma_start3A_257, %dma_start3A_258] : memref<1000000x64xf32, #tpu.memory_space<hbm>> -> memref<1000000x64xf32, #tpu.memory_space<hbm>>
      tpu.enqueue_indirect_dma source(%dma_start3A_259 : memref<1000000x64xf32, #tpu.memory_space<hbm>>) target(%dma_start3A_253 : memref<100x64xf32, #tpu.memory_space<vmem>>) offsets(%dma_start3A_256 : memref<100xi32, #tpu.memory_space<vmem>>) semaphore(%arg8 : memref<!tpu.dma_semaphore, #tpu.memory_space<semaphore_mem>>)
      %dma_wait3A_260 = arith.constant 0 : i32
      %dma_wait3A_261 = arith.constant 0 : i32
      %dma_wait3A_262 = arith.constant 0 : i32
      %dma_wait3A_263 = tpu.memref_slice %arg6[%dma_wait3A_260, %dma_wait3A_261, %dma_wait3A_262] : memref<2x800x64xf32, #tpu.memory_space<vmem>> -> memref<1x800x64xf32, #tpu.memory_space<vmem>>
      %dma_wait3A_264 = tpu.memref_squeeze %dma_wait3A_263 : memref<1x800x64xf32, #tpu.memory_space<vmem>> -> memref<800x64xf32, #tpu.memory_space<vmem>>
      %dma_wait3A_265 = arith.constant 0 : i32
      %dma_wait3A_266 = arith.constant 0 : i32
      %dma_wait3A_267 = tpu.memref_slice %arg4[%dma_wait3A_265, %dma_wait3A_266] : memref<917504x128xf32, #tpu.memory_space<hbm>> -> memref<800x64xf32, #tpu.memory_space<hbm>>
      %dma_wait3A_268 = arith.constant 0 : i32
      %dma_wait3A_269 = arith.constant 0 : i32
      %dma_wait3A_270 = tpu.memref_slice %arg6[%dma_wait3A_260, %dma_wait3A_268, %dma_wait3A_269] : memref<2x800x64xf32, #tpu.memory_space<vmem>> -> memref<1x800x64xf32, #tpu.memory_space<vmem>>
      %dma_wait3A_271 = tpu.memref_squeeze %dma_wait3A_270 : memref<1x800x64xf32, #tpu.memory_space<vmem>> -> memref<800x64xf32, #tpu.memory_space<vmem>>
      %dma_wait3A_272 = arith.constant 0 : i32
      %dma_wait3A_273 = arith.constant 0 : i32
      %dma_wait3A_274 = tpu.memref_slice %arg4[%dma_wait3A_272, %dma_wait3A_273] : memref<917504x128xf32, #tpu.memory_space<hbm>> -> memref<800x64xf32, #tpu.memory_space<hbm>>
      tpu.wait_dma2 semaphore(%arg7 : memref<!tpu.dma_semaphore, #tpu.memory_space<semaphore_mem>>) src(%dma_wait3A_274 : memref<800x64xf32, #tpu.memory_space<hbm>>) dst(%dma_wait3A_271 : memref<800x64xf32, #tpu.memory_space<vmem>>)
      %mul3A_275 = arith.constant 16 : i32
      %mul3A_276 = arith.muli %add3A_135, %mul3A_275 : i32
      %add3A_277 = arith.addi %mul3A_2, %mul3A_276 : i32
      %add3A_278 = arith.constant 0 : i32
      %add3A_279 = arith.addi %add3A_277, %add3A_278 : i32
      %mul3A_280 = arith.constant 56 : i32
      %mul3A_281 = arith.muli %add3A_279, %mul3A_280 : i32
      %dma_start3A_282 = arith.constant 0 : i32
      %dma_start3A_283 = arith.constant 0 : i32
      %dma_start3A_284 = arith.constant 0 : i32
      %dma_start3A_285 = tpu.memref_slice %arg6[%dma_start3A_282, %dma_start3A_283, %dma_start3A_284] : memref<2x800x64xf32, #tpu.memory_space<vmem>> -> memref<1x50x64xf32, #tpu.memory_space<vmem>>
      %dma_start3A_286 = tpu.memref_squeeze %dma_start3A_285 : memref<1x50x64xf32, #tpu.memory_space<vmem>> -> memref<50x64xf32, #tpu.memory_space<vmem>>
      %dma_start3A_287 = arith.constant 0 : i32
      %dma_start3A_288 = tpu.memref_slice %arg4[%mul3A_281, %dma_start3A_287] : memref<917504x128xf32, #tpu.memory_space<hbm>> -> memref<50x64xf32, #tpu.memory_space<hbm>>
      %dma_start3A_289 = arith.constant 0 : i32
      %dma_start3A_290 = tpu.memref_slice %arg4[%mul3A_281, %dma_start3A_289] : memref<917504x128xf32, #tpu.memory_space<hbm>> -> memref<50x64xf32, #tpu.memory_space<hbm>>
      %dma_start3A_291 = arith.constant 0 : i32
      %dma_start3A_292 = arith.constant 0 : i32
      %dma_start3A_293 = tpu.memref_slice %arg6[%dma_start3A_282, %dma_start3A_291, %dma_start3A_292] : memref<2x800x64xf32, #tpu.memory_space<vmem>> -> memref<1x50x64xf32, #tpu.memory_space<vmem>>
      %dma_start3A_294 = tpu.memref_squeeze %dma_start3A_293 : memref<1x50x64xf32, #tpu.memory_space<vmem>> -> memref<50x64xf32, #tpu.memory_space<vmem>>
      tpu.enqueue_dma source(%dma_start3A_294 : memref<50x64xf32, #tpu.memory_space<vmem>>) target(%dma_start3A_290 : memref<50x64xf32, #tpu.memory_space<hbm>>) target_semaphore(%arg9 : memref<!tpu.dma_semaphore, #tpu.memory_space<semaphore_mem>>)
      %mul3A_295 = arith.constant 16 : i32
      %mul3A_296 = arith.muli %add3A_135, %mul3A_295 : i32
      %add3A_297 = arith.addi %mul3A_2, %mul3A_296 : i32
      %add3A_298 = arith.constant 1 : i32
      %add3A_299 = arith.addi %add3A_297, %add3A_298 : i32
      %mul3A_300 = arith.constant 56 : i32
      %mul3A_301 = arith.muli %add3A_299, %mul3A_300 : i32
      %dma_start3A_302 = arith.constant 0 : i32
      %dma_start3A_303 = arith.constant 50 : i32
      %dma_start3A_304 = arith.constant 0 : i32
      %dma_start3A_305 = tpu.memref_slice %arg6[%dma_start3A_302, %dma_start3A_303, %dma_start3A_304] : memref<2x800x64xf32, #tpu.memory_space<vmem>> -> memref<1x50x64xf32, #tpu.memory_space<vmem>>
      %dma_start3A_306 = tpu.memref_squeeze %dma_start3A_305 : memref<1x50x64xf32, #tpu.memory_space<vmem>> -> memref<50x64xf32, #tpu.memory_space<vmem>>
      %dma_start3A_307 = arith.constant 0 : i32
      %dma_start3A_308 = tpu.memref_slice %arg4[%mul3A_301, %dma_start3A_307] : memref<917504x128xf32, #tpu.memory_space<hbm>> -> memref<50x64xf32, #tpu.memory_space<hbm>>
      %dma_start3A_309 = arith.constant 0 : i32
      %dma_start3A_310 = tpu.memref_slice %arg4[%mul3A_301, %dma_start3A_309] : memref<917504x128xf32, #tpu.memory_space<hbm>> -> memref<50x64xf32, #tpu.memory_space<hbm>>
      %dma_start3A_311 = arith.constant 50 : i32
      %dma_start3A_312 = arith.constant 0 : i32
      %dma_start3A_313 = tpu.memref_slice %arg6[%dma_start3A_302, %dma_start3A_311, %dma_start3A_312] : memref<2x800x64xf32, #tpu.memory_space<vmem>> -> memref<1x50x64xf32, #tpu.memory_space<vmem>>
      %dma_start3A_314 = tpu.memref_squeeze %dma_start3A_313 : memref<1x50x64xf32, #tpu.memory_space<vmem>> -> memref<50x64xf32, #tpu.memory_space<vmem>>
      tpu.enqueue_dma source(%dma_start3A_314 : memref<50x64xf32, #tpu.memory_space<vmem>>) target(%dma_start3A_310 : memref<50x64xf32, #tpu.memory_space<hbm>>) target_semaphore(%arg9 : memref<!tpu.dma_semaphore, #tpu.memory_space<semaphore_mem>>)
      %mul3A_315 = arith.constant 16 : i32
      %mul3A_316 = arith.muli %add3A_135, %mul3A_315 : i32
      %add3A_317 = arith.addi %mul3A_2, %mul3A_316 : i32
      %add3A_318 = arith.constant 2 : i32
      %add3A_319 = arith.addi %add3A_317, %add3A_318 : i32
      %mul3A_320 = arith.constant 56 : i32
      %mul3A_321 = arith.muli %add3A_319, %mul3A_320 : i32
      %dma_start3A_322 = arith.constant 0 : i32
      %dma_start3A_323 = arith.constant 100 : i32
      %dma_start3A_324 = arith.constant 0 : i32
      %dma_start3A_325 = tpu.memref_slice %arg6[%dma_start3A_322, %dma_start3A_323, %dma_start3A_324] : memref<2x800x64xf32, #tpu.memory_space<vmem>> -> memref<1x50x64xf32, #tpu.memory_space<vmem>>
      %dma_start3A_326 = tpu.memref_squeeze %dma_start3A_325 : memref<1x50x64xf32, #tpu.memory_space<vmem>> -> memref<50x64xf32, #tpu.memory_space<vmem>>
      %dma_start3A_327 = arith.constant 0 : i32
      %dma_start3A_328 = tpu.memref_slice %arg4[%mul3A_321, %dma_start3A_327] : memref<917504x128xf32, #tpu.memory_space<hbm>> -> memref<50x64xf32, #tpu.memory_space<hbm>>
      %dma_start3A_329 = arith.constant 0 : i32
      %dma_start3A_330 = tpu.memref_slice %arg4[%mul3A_321, %dma_start3A_329] : memref<917504x128xf32, #tpu.memory_space<hbm>> -> memref<50x64xf32, #tpu.memory_space<hbm>>
      %dma_start3A_331 = arith.constant 100 : i32
      %dma_start3A_332 = arith.constant 0 : i32
      %dma_start3A_333 = tpu.memref_slice %arg6[%dma_start3A_322, %dma_start3A_331, %dma_start3A_332] : memref<2x800x64xf32, #tpu.memory_space<vmem>> -> memref<1x50x64xf32, #tpu.memory_space<vmem>>
      %dma_start3A_334 = tpu.memref_squeeze %dma_start3A_333 : memref<1x50x64xf32, #tpu.memory_space<vmem>> -> memref<50x64xf32, #tpu.memory_space<vmem>>
      tpu.enqueue_dma source(%dma_start3A_334 : memref<50x64xf32, #tpu.memory_space<vmem>>) target(%dma_start3A_330 : memref<50x64xf32, #tpu.memory_space<hbm>>) target_semaphore(%arg9 : memref<!tpu.dma_semaphore, #tpu.memory_space<semaphore_mem>>)
      %mul3A_335 = arith.constant 16 : i32
      %mul3A_336 = arith.muli %add3A_135, %mul3A_335 : i32
      %add3A_337 = arith.addi %mul3A_2, %mul3A_336 : i32
      %add3A_338 = arith.constant 3 : i32
      %add3A_339 = arith.addi %add3A_337, %add3A_338 : i32
      %mul3A_340 = arith.constant 56 : i32
      %mul3A_341 = arith.muli %add3A_339, %mul3A_340 : i32
      %dma_start3A_342 = arith.constant 0 : i32
      %dma_start3A_343 = arith.constant 150 : i32
      %dma_start3A_344 = arith.constant 0 : i32
      %dma_start3A_345 = tpu.memref_slice %arg6[%dma_start3A_342, %dma_start3A_343, %dma_start3A_344] : memref<2x800x64xf32, #tpu.memory_space<vmem>> -> memref<1x50x64xf32, #tpu.memory_space<vmem>>
      %dma_start3A_346 = tpu.memref_squeeze %dma_start3A_345 : memref<1x50x64xf32, #tpu.memory_space<vmem>> -> memref<50x64xf32, #tpu.memory_space<vmem>>
      %dma_start3A_347 = arith.constant 0 : i32
      %dma_start3A_348 = tpu.memref_slice %arg4[%mul3A_341, %dma_start3A_347] : memref<917504x128xf32, #tpu.memory_space<hbm>> -> memref<50x64xf32, #tpu.memory_space<hbm>>
      %dma_start3A_349 = arith.constant 0 : i32
      %dma_start3A_350 = tpu.memref_slice %arg4[%mul3A_341, %dma_start3A_349] : memref<917504x128xf32, #tpu.memory_space<hbm>> -> memref<50x64xf32, #tpu.memory_space<hbm>>
      %dma_start3A_351 = arith.constant 150 : i32
      %dma_start3A_352 = arith.constant 0 : i32
      %dma_start3A_353 = tpu.memref_slice %arg6[%dma_start3A_342, %dma_start3A_351, %dma_start3A_352] : memref<2x800x64xf32, #tpu.memory_space<vmem>> -> memref<1x50x64xf32, #tpu.memory_space<vmem>>
      %dma_start3A_354 = tpu.memref_squeeze %dma_start3A_353 : memref<1x50x64xf32, #tpu.memory_space<vmem>> -> memref<50x64xf32, #tpu.memory_space<vmem>>
      tpu.enqueue_dma source(%dma_start3A_354 : memref<50x64xf32, #tpu.memory_space<vmem>>) target(%dma_start3A_350 : memref<50x64xf32, #tpu.memory_space<hbm>>) target_semaphore(%arg9 : memref<!tpu.dma_semaphore, #tpu.memory_space<semaphore_mem>>)
      %mul3A_355 = arith.constant 16 : i32
      %mul3A_356 = arith.muli %add3A_135, %mul3A_355 : i32
      %add3A_357 = arith.addi %mul3A_2, %mul3A_356 : i32
      %add3A_358 = arith.constant 4 : i32
      %add3A_359 = arith.addi %add3A_357, %add3A_358 : i32
      %mul3A_360 = arith.constant 56 : i32
      %mul3A_361 = arith.muli %add3A_359, %mul3A_360 : i32
      %dma_start3A_362 = arith.constant 0 : i32
      %dma_start3A_363 = arith.constant 200 : i32
      %dma_start3A_364 = arith.constant 0 : i32
      %dma_start3A_365 = tpu.memref_slice %arg6[%dma_start3A_362, %dma_start3A_363, %dma_start3A_364] : memref<2x800x64xf32, #tpu.memory_space<vmem>> -> memref<1x50x64xf32, #tpu.memory_space<vmem>>
      %dma_start3A_366 = tpu.memref_squeeze %dma_start3A_365 : memref<1x50x64xf32, #tpu.memory_space<vmem>> -> memref<50x64xf32, #tpu.memory_space<vmem>>
      %dma_start3A_367 = arith.constant 0 : i32
      %dma_start3A_368 = tpu.memref_slice %arg4[%mul3A_361, %dma_start3A_367] : memref<917504x128xf32, #tpu.memory_space<hbm>> -> memref<50x64xf32, #tpu.memory_space<hbm>>
      %dma_start3A_369 = arith.constant 0 : i32
      %dma_start3A_370 = tpu.memref_slice %arg4[%mul3A_361, %dma_start3A_369] : memref<917504x128xf32, #tpu.memory_space<hbm>> -> memref<50x64xf32, #tpu.memory_space<hbm>>
      %dma_start3A_371 = arith.constant 200 : i32
      %dma_start3A_372 = arith.constant 0 : i32
      %dma_start3A_373 = tpu.memref_slice %arg6[%dma_start3A_362, %dma_start3A_371, %dma_start3A_372] : memref<2x800x64xf32, #tpu.memory_space<vmem>> -> memref<1x50x64xf32, #tpu.memory_space<vmem>>
      %dma_start3A_374 = tpu.memref_squeeze %dma_start3A_373 : memref<1x50x64xf32, #tpu.memory_space<vmem>> -> memref<50x64xf32, #tpu.memory_space<vmem>>
      tpu.enqueue_dma source(%dma_start3A_374 : memref<50x64xf32, #tpu.memory_space<vmem>>) target(%dma_start3A_370 : memref<50x64xf32, #tpu.memory_space<hbm>>) target_semaphore(%arg9 : memref<!tpu.dma_semaphore, #tpu.memory_space<semaphore_mem>>)
      %mul3A_375 = arith.constant 16 : i32
      %mul3A_376 = arith.muli %add3A_135, %mul3A_375 : i32
      %add3A_377 = arith.addi %mul3A_2, %mul3A_376 : i32
      %add3A_378 = arith.constant 5 : i32
      %add3A_379 = arith.addi %add3A_377, %add3A_378 : i32
      %mul3A_380 = arith.constant 56 : i32
      %mul3A_381 = arith.muli %add3A_379, %mul3A_380 : i32
      %dma_start3A_382 = arith.constant 0 : i32
      %dma_start3A_383 = arith.constant 250 : i32
      %dma_start3A_384 = arith.constant 0 : i32
      %dma_start3A_385 = tpu.memref_slice %arg6[%dma_start3A_382, %dma_start3A_383, %dma_start3A_384] : memref<2x800x64xf32, #tpu.memory_space<vmem>> -> memref<1x50x64xf32, #tpu.memory_space<vmem>>
      %dma_start3A_386 = tpu.memref_squeeze %dma_start3A_385 : memref<1x50x64xf32, #tpu.memory_space<vmem>> -> memref<50x64xf32, #tpu.memory_space<vmem>>
      %dma_start3A_387 = arith.constant 0 : i32
      %dma_start3A_388 = tpu.memref_slice %arg4[%mul3A_381, %dma_start3A_387] : memref<917504x128xf32, #tpu.memory_space<hbm>> -> memref<50x64xf32, #tpu.memory_space<hbm>>
      %dma_start3A_389 = arith.constant 0 : i32
      %dma_start3A_390 = tpu.memref_slice %arg4[%mul3A_381, %dma_start3A_389] : memref<917504x128xf32, #tpu.memory_space<hbm>> -> memref<50x64xf32, #tpu.memory_space<hbm>>
      %dma_start3A_391 = arith.constant 250 : i32
      %dma_start3A_392 = arith.constant 0 : i32
      %dma_start3A_393 = tpu.memref_slice %arg6[%dma_start3A_382, %dma_start3A_391, %dma_start3A_392] : memref<2x800x64xf32, #tpu.memory_space<vmem>> -> memref<1x50x64xf32, #tpu.memory_space<vmem>>
      %dma_start3A_394 = tpu.memref_squeeze %dma_start3A_393 : memref<1x50x64xf32, #tpu.memory_space<vmem>> -> memref<50x64xf32, #tpu.memory_space<vmem>>
      tpu.enqueue_dma source(%dma_start3A_394 : memref<50x64xf32, #tpu.memory_space<vmem>>) target(%dma_start3A_390 : memref<50x64xf32, #tpu.memory_space<hbm>>) target_semaphore(%arg9 : memref<!tpu.dma_semaphore, #tpu.memory_space<semaphore_mem>>)
      %mul3A_395 = arith.constant 16 : i32
      %mul3A_396 = arith.muli %add3A_135, %mul3A_395 : i32
      %add3A_397 = arith.addi %mul3A_2, %mul3A_396 : i32
      %add3A_398 = arith.constant 6 : i32
      %add3A_399 = arith.addi %add3A_397, %add3A_398 : i32
      %mul3A_400 = arith.constant 56 : i32
      %mul3A_401 = arith.muli %add3A_399, %mul3A_400 : i32
      %dma_start3A_402 = arith.constant 0 : i32
      %dma_start3A_403 = arith.constant 300 : i32
      %dma_start3A_404 = arith.constant 0 : i32
      %dma_start3A_405 = tpu.memref_slice %arg6[%dma_start3A_402, %dma_start3A_403, %dma_start3A_404] : memref<2x800x64xf32, #tpu.memory_space<vmem>> -> memref<1x50x64xf32, #tpu.memory_space<vmem>>
      %dma_start3A_406 = tpu.memref_squeeze %dma_start3A_405 : memref<1x50x64xf32, #tpu.memory_space<vmem>> -> memref<50x64xf32, #tpu.memory_space<vmem>>
      %dma_start3A_407 = arith.constant 0 : i32
      %dma_start3A_408 = tpu.memref_slice %arg4[%mul3A_401, %dma_start3A_407] : memref<917504x128xf32, #tpu.memory_space<hbm>> -> memref<50x64xf32, #tpu.memory_space<hbm>>
      %dma_start3A_409 = arith.constant 0 : i32
      %dma_start3A_410 = tpu.memref_slice %arg4[%mul3A_401, %dma_start3A_409] : memref<917504x128xf32, #tpu.memory_space<hbm>> -> memref<50x64xf32, #tpu.memory_space<hbm>>
      %dma_start3A_411 = arith.constant 300 : i32
      %dma_start3A_412 = arith.constant 0 : i32
      %dma_start3A_413 = tpu.memref_slice %arg6[%dma_start3A_402, %dma_start3A_411, %dma_start3A_412] : memref<2x800x64xf32, #tpu.memory_space<vmem>> -> memref<1x50x64xf32, #tpu.memory_space<vmem>>
      %dma_start3A_414 = tpu.memref_squeeze %dma_start3A_413 : memref<1x50x64xf32, #tpu.memory_space<vmem>> -> memref<50x64xf32, #tpu.memory_space<vmem>>
      tpu.enqueue_dma source(%dma_start3A_414 : memref<50x64xf32, #tpu.memory_space<vmem>>) target(%dma_start3A_410 : memref<50x64xf32, #tpu.memory_space<hbm>>) target_semaphore(%arg9 : memref<!tpu.dma_semaphore, #tpu.memory_space<semaphore_mem>>)
      %mul3A_415 = arith.constant 16 : i32
      %mul3A_416 = arith.muli %add3A_135, %mul3A_415 : i32
      %add3A_417 = arith.addi %mul3A_2, %mul3A_416 : i32
      %add3A_418 = arith.constant 7 : i32
      %add3A_419 = arith.addi %add3A_417, %add3A_418 : i32
      %mul3A_420 = arith.constant 56 : i32
      %mul3A_421 = arith.muli %add3A_419, %mul3A_420 : i32
      %dma_start3A_422 = arith.constant 0 : i32
      %dma_start3A_423 = arith.constant 350 : i32
      %dma_start3A_424 = arith.constant 0 : i32
      %dma_start3A_425 = tpu.memref_slice %arg6[%dma_start3A_422, %dma_start3A_423, %dma_start3A_424] : memref<2x800x64xf32, #tpu.memory_space<vmem>> -> memref<1x50x64xf32, #tpu.memory_space<vmem>>
      %dma_start3A_426 = tpu.memref_squeeze %dma_start3A_425 : memref<1x50x64xf32, #tpu.memory_space<vmem>> -> memref<50x64xf32, #tpu.memory_space<vmem>>
      %dma_start3A_427 = arith.constant 0 : i32
      %dma_start3A_428 = tpu.memref_slice %arg4[%mul3A_421, %dma_start3A_427] : memref<917504x128xf32, #tpu.memory_space<hbm>> -> memref<50x64xf32, #tpu.memory_space<hbm>>
      %dma_start3A_429 = arith.constant 0 : i32
      %dma_start3A_430 = tpu.memref_slice %arg4[%mul3A_421, %dma_start3A_429] : memref<917504x128xf32, #tpu.memory_space<hbm>> -> memref<50x64xf32, #tpu.memory_space<hbm>>
      %dma_start3A_431 = arith.constant 350 : i32
      %dma_start3A_432 = arith.constant 0 : i32
      %dma_start3A_433 = tpu.memref_slice %arg6[%dma_start3A_422, %dma_start3A_431, %dma_start3A_432] : memref<2x800x64xf32, #tpu.memory_space<vmem>> -> memref<1x50x64xf32, #tpu.memory_space<vmem>>
      %dma_start3A_434 = tpu.memref_squeeze %dma_start3A_433 : memref<1x50x64xf32, #tpu.memory_space<vmem>> -> memref<50x64xf32, #tpu.memory_space<vmem>>
      tpu.enqueue_dma source(%dma_start3A_434 : memref<50x64xf32, #tpu.memory_space<vmem>>) target(%dma_start3A_430 : memref<50x64xf32, #tpu.memory_space<hbm>>) target_semaphore(%arg9 : memref<!tpu.dma_semaphore, #tpu.memory_space<semaphore_mem>>)
      %mul3A_435 = arith.constant 16 : i32
      %mul3A_436 = arith.muli %add3A_135, %mul3A_435 : i32
      %add3A_437 = arith.addi %mul3A_2, %mul3A_436 : i32
      %add3A_438 = arith.constant 8 : i32
      %add3A_439 = arith.addi %add3A_437, %add3A_438 : i32
      %mul3A_440 = arith.constant 56 : i32
      %mul3A_441 = arith.muli %add3A_439, %mul3A_440 : i32
      %dma_start3A_442 = arith.constant 0 : i32
      %dma_start3A_443 = arith.constant 400 : i32
      %dma_start3A_444 = arith.constant 0 : i32
      %dma_start3A_445 = tpu.memref_slice %arg6[%dma_start3A_442, %dma_start3A_443, %dma_start3A_444] : memref<2x800x64xf32, #tpu.memory_space<vmem>> -> memref<1x50x64xf32, #tpu.memory_space<vmem>>
      %dma_start3A_446 = tpu.memref_squeeze %dma_start3A_445 : memref<1x50x64xf32, #tpu.memory_space<vmem>> -> memref<50x64xf32, #tpu.memory_space<vmem>>
      %dma_start3A_447 = arith.constant 0 : i32
      %dma_start3A_448 = tpu.memref_slice %arg4[%mul3A_441, %dma_start3A_447] : memref<917504x128xf32, #tpu.memory_space<hbm>> -> memref<50x64xf32, #tpu.memory_space<hbm>>
      %dma_start3A_449 = arith.constant 0 : i32
      %dma_start3A_450 = tpu.memref_slice %arg4[%mul3A_441, %dma_start3A_449] : memref<917504x128xf32, #tpu.memory_space<hbm>> -> memref<50x64xf32, #tpu.memory_space<hbm>>
      %dma_start3A_451 = arith.constant 400 : i32
      %dma_start3A_452 = arith.constant 0 : i32
      %dma_start3A_453 = tpu.memref_slice %arg6[%dma_start3A_442, %dma_start3A_451, %dma_start3A_452] : memref<2x800x64xf32, #tpu.memory_space<vmem>> -> memref<1x50x64xf32, #tpu.memory_space<vmem>>
      %dma_start3A_454 = tpu.memref_squeeze %dma_start3A_453 : memref<1x50x64xf32, #tpu.memory_space<vmem>> -> memref<50x64xf32, #tpu.memory_space<vmem>>
      tpu.enqueue_dma source(%dma_start3A_454 : memref<50x64xf32, #tpu.memory_space<vmem>>) target(%dma_start3A_450 : memref<50x64xf32, #tpu.memory_space<hbm>>) target_semaphore(%arg9 : memref<!tpu.dma_semaphore, #tpu.memory_space<semaphore_mem>>)
      %mul3A_455 = arith.constant 16 : i32
      %mul3A_456 = arith.muli %add3A_135, %mul3A_455 : i32
      %add3A_457 = arith.addi %mul3A_2, %mul3A_456 : i32
      %add3A_458 = arith.constant 9 : i32
      %add3A_459 = arith.addi %add3A_457, %add3A_458 : i32
      %mul3A_460 = arith.constant 56 : i32
      %mul3A_461 = arith.muli %add3A_459, %mul3A_460 : i32
      %dma_start3A_462 = arith.constant 0 : i32
      %dma_start3A_463 = arith.constant 450 : i32
      %dma_start3A_464 = arith.constant 0 : i32
      %dma_start3A_465 = tpu.memref_slice %arg6[%dma_start3A_462, %dma_start3A_463, %dma_start3A_464] : memref<2x800x64xf32, #tpu.memory_space<vmem>> -> memref<1x50x64xf32, #tpu.memory_space<vmem>>
      %dma_start3A_466 = tpu.memref_squeeze %dma_start3A_465 : memref<1x50x64xf32, #tpu.memory_space<vmem>> -> memref<50x64xf32, #tpu.memory_space<vmem>>
      %dma_start3A_467 = arith.constant 0 : i32
      %dma_start3A_468 = tpu.memref_slice %arg4[%mul3A_461, %dma_start3A_467] : memref<917504x128xf32, #tpu.memory_space<hbm>> -> memref<50x64xf32, #tpu.memory_space<hbm>>
      %dma_start3A_469 = arith.constant 0 : i32
      %dma_start3A_470 = tpu.memref_slice %arg4[%mul3A_461, %dma_start3A_469] : memref<917504x128xf32, #tpu.memory_space<hbm>> -> memref<50x64xf32, #tpu.memory_space<hbm>>
      %dma_start3A_471 = arith.constant 450 : i32
      %dma_start3A_472 = arith.constant 0 : i32
      %dma_start3A_473 = tpu.memref_slice %arg6[%dma_start3A_462, %dma_start3A_471, %dma_start3A_472] : memref<2x800x64xf32, #tpu.memory_space<vmem>> -> memref<1x50x64xf32, #tpu.memory_space<vmem>>
      %dma_start3A_474 = tpu.memref_squeeze %dma_start3A_473 : memref<1x50x64xf32, #tpu.memory_space<vmem>> -> memref<50x64xf32, #tpu.memory_space<vmem>>
      tpu.enqueue_dma source(%dma_start3A_474 : memref<50x64xf32, #tpu.memory_space<vmem>>) target(%dma_start3A_470 : memref<50x64xf32, #tpu.memory_space<hbm>>) target_semaphore(%arg9 : memref<!tpu.dma_semaphore, #tpu.memory_space<semaphore_mem>>)
      %mul3A_475 = arith.constant 16 : i32
      %mul3A_476 = arith.muli %add3A_135, %mul3A_475 : i32
      %add3A_477 = arith.addi %mul3A_2, %mul3A_476 : i32
      %add3A_478 = arith.constant 10 : i32
      %add3A_479 = arith.addi %add3A_477, %add3A_478 : i32
      %mul3A_480 = arith.constant 56 : i32
      %mul3A_481 = arith.muli %add3A_479, %mul3A_480 : i32
      %dma_start3A_482 = arith.constant 0 : i32
      %dma_start3A_483 = arith.constant 500 : i32
      %dma_start3A_484 = arith.constant 0 : i32
      %dma_start3A_485 = tpu.memref_slice %arg6[%dma_start3A_482, %dma_start3A_483, %dma_start3A_484] : memref<2x800x64xf32, #tpu.memory_space<vmem>> -> memref<1x50x64xf32, #tpu.memory_space<vmem>>
      %dma_start3A_486 = tpu.memref_squeeze %dma_start3A_485 : memref<1x50x64xf32, #tpu.memory_space<vmem>> -> memref<50x64xf32, #tpu.memory_space<vmem>>
      %dma_start3A_487 = arith.constant 0 : i32
      %dma_start3A_488 = tpu.memref_slice %arg4[%mul3A_481, %dma_start3A_487] : memref<917504x128xf32, #tpu.memory_space<hbm>> -> memref<50x64xf32, #tpu.memory_space<hbm>>
      %dma_start3A_489 = arith.constant 0 : i32
      %dma_start3A_490 = tpu.memref_slice %arg4[%mul3A_481, %dma_start3A_489] : memref<917504x128xf32, #tpu.memory_space<hbm>> -> memref<50x64xf32, #tpu.memory_space<hbm>>
      %dma_start3A_491 = arith.constant 500 : i32
      %dma_start3A_492 = arith.constant 0 : i32
      %dma_start3A_493 = tpu.memref_slice %arg6[%dma_start3A_482, %dma_start3A_491, %dma_start3A_492] : memref<2x800x64xf32, #tpu.memory_space<vmem>> -> memref<1x50x64xf32, #tpu.memory_space<vmem>>
      %dma_start3A_494 = tpu.memref_squeeze %dma_start3A_493 : memref<1x50x64xf32, #tpu.memory_space<vmem>> -> memref<50x64xf32, #tpu.memory_space<vmem>>
      tpu.enqueue_dma source(%dma_start3A_494 : memref<50x64xf32, #tpu.memory_space<vmem>>) target(%dma_start3A_490 : memref<50x64xf32, #tpu.memory_space<hbm>>) target_semaphore(%arg9 : memref<!tpu.dma_semaphore, #tpu.memory_space<semaphore_mem>>)
      %mul3A_495 = arith.constant 16 : i32
      %mul3A_496 = arith.muli %add3A_135, %mul3A_495 : i32
      %add3A_497 = arith.addi %mul3A_2, %mul3A_496 : i32
      %add3A_498 = arith.constant 11 : i32
      %add3A_499 = arith.addi %add3A_497, %add3A_498 : i32
      %mul3A_500 = arith.constant 56 : i32
      %mul3A_501 = arith.muli %add3A_499, %mul3A_500 : i32
      %dma_start3A_502 = arith.constant 0 : i32
      %dma_start3A_503 = arith.constant 550 : i32
      %dma_start3A_504 = arith.constant 0 : i32
      %dma_start3A_505 = tpu.memref_slice %arg6[%dma_start3A_502, %dma_start3A_503, %dma_start3A_504] : memref<2x800x64xf32, #tpu.memory_space<vmem>> -> memref<1x50x64xf32, #tpu.memory_space<vmem>>
      %dma_start3A_506 = tpu.memref_squeeze %dma_start3A_505 : memref<1x50x64xf32, #tpu.memory_space<vmem>> -> memref<50x64xf32, #tpu.memory_space<vmem>>
      %dma_start3A_507 = arith.constant 0 : i32
      %dma_start3A_508 = tpu.memref_slice %arg4[%mul3A_501, %dma_start3A_507] : memref<917504x128xf32, #tpu.memory_space<hbm>> -> memref<50x64xf32, #tpu.memory_space<hbm>>
      %dma_start3A_509 = arith.constant 0 : i32
      %dma_start3A_510 = tpu.memref_slice %arg4[%mul3A_501, %dma_start3A_509] : memref<917504x128xf32, #tpu.memory_space<hbm>> -> memref<50x64xf32, #tpu.memory_space<hbm>>
      %dma_start3A_511 = arith.constant 550 : i32
      %dma_start3A_512 = arith.constant 0 : i32
      %dma_start3A_513 = tpu.memref_slice %arg6[%dma_start3A_502, %dma_start3A_511, %dma_start3A_512] : memref<2x800x64xf32, #tpu.memory_space<vmem>> -> memref<1x50x64xf32, #tpu.memory_space<vmem>>
      %dma_start3A_514 = tpu.memref_squeeze %dma_start3A_513 : memref<1x50x64xf32, #tpu.memory_space<vmem>> -> memref<50x64xf32, #tpu.memory_space<vmem>>
      tpu.enqueue_dma source(%dma_start3A_514 : memref<50x64xf32, #tpu.memory_space<vmem>>) target(%dma_start3A_510 : memref<50x64xf32, #tpu.memory_space<hbm>>) target_semaphore(%arg9 : memref<!tpu.dma_semaphore, #tpu.memory_space<semaphore_mem>>)
      %mul3A_515 = arith.constant 16 : i32
      %mul3A_516 = arith.muli %add3A_135, %mul3A_515 : i32
      %add3A_517 = arith.addi %mul3A_2, %mul3A_516 : i32
      %add3A_518 = arith.constant 12 : i32
      %add3A_519 = arith.addi %add3A_517, %add3A_518 : i32
      %mul3A_520 = arith.constant 56 : i32
      %mul3A_521 = arith.muli %add3A_519, %mul3A_520 : i32
      %dma_start3A_522 = arith.constant 0 : i32
      %dma_start3A_523 = arith.constant 600 : i32
      %dma_start3A_524 = arith.constant 0 : i32
      %dma_start3A_525 = tpu.memref_slice %arg6[%dma_start3A_522, %dma_start3A_523, %dma_start3A_524] : memref<2x800x64xf32, #tpu.memory_space<vmem>> -> memref<1x50x64xf32, #tpu.memory_space<vmem>>
      %dma_start3A_526 = tpu.memref_squeeze %dma_start3A_525 : memref<1x50x64xf32, #tpu.memory_space<vmem>> -> memref<50x64xf32, #tpu.memory_space<vmem>>
      %dma_start3A_527 = arith.constant 0 : i32
      %dma_start3A_528 = tpu.memref_slice %arg4[%mul3A_521, %dma_start3A_527] : memref<917504x128xf32, #tpu.memory_space<hbm>> -> memref<50x64xf32, #tpu.memory_space<hbm>>
      %dma_start3A_529 = arith.constant 0 : i32
      %dma_start3A_530 = tpu.memref_slice %arg4[%mul3A_521, %dma_start3A_529] : memref<917504x128xf32, #tpu.memory_space<hbm>> -> memref<50x64xf32, #tpu.memory_space<hbm>>
      %dma_start3A_531 = arith.constant 600 : i32
      %dma_start3A_532 = arith.constant 0 : i32
      %dma_start3A_533 = tpu.memref_slice %arg6[%dma_start3A_522, %dma_start3A_531, %dma_start3A_532] : memref<2x800x64xf32, #tpu.memory_space<vmem>> -> memref<1x50x64xf32, #tpu.memory_space<vmem>>
      %dma_start3A_534 = tpu.memref_squeeze %dma_start3A_533 : memref<1x50x64xf32, #tpu.memory_space<vmem>> -> memref<50x64xf32, #tpu.memory_space<vmem>>
      tpu.enqueue_dma source(%dma_start3A_534 : memref<50x64xf32, #tpu.memory_space<vmem>>) target(%dma_start3A_530 : memref<50x64xf32, #tpu.memory_space<hbm>>) target_semaphore(%arg9 : memref<!tpu.dma_semaphore, #tpu.memory_space<semaphore_mem>>)
      %mul3A_535 = arith.constant 16 : i32
      %mul3A_536 = arith.muli %add3A_135, %mul3A_535 : i32
      %add3A_537 = arith.addi %mul3A_2, %mul3A_536 : i32
      %add3A_538 = arith.constant 13 : i32
      %add3A_539 = arith.addi %add3A_537, %add3A_538 : i32
      %mul3A_540 = arith.constant 56 : i32
      %mul3A_541 = arith.muli %add3A_539, %mul3A_540 : i32
      %dma_start3A_542 = arith.constant 0 : i32
      %dma_start3A_543 = arith.constant 650 : i32
      %dma_start3A_544 = arith.constant 0 : i32
      %dma_start3A_545 = tpu.memref_slice %arg6[%dma_start3A_542, %dma_start3A_543, %dma_start3A_544] : memref<2x800x64xf32, #tpu.memory_space<vmem>> -> memref<1x50x64xf32, #tpu.memory_space<vmem>>
      %dma_start3A_546 = tpu.memref_squeeze %dma_start3A_545 : memref<1x50x64xf32, #tpu.memory_space<vmem>> -> memref<50x64xf32, #tpu.memory_space<vmem>>
      %dma_start3A_547 = arith.constant 0 : i32
      %dma_start3A_548 = tpu.memref_slice %arg4[%mul3A_541, %dma_start3A_547] : memref<917504x128xf32, #tpu.memory_space<hbm>> -> memref<50x64xf32, #tpu.memory_space<hbm>>
      %dma_start3A_549 = arith.constant 0 : i32
      %dma_start3A_550 = tpu.memref_slice %arg4[%mul3A_541, %dma_start3A_549] : memref<917504x128xf32, #tpu.memory_space<hbm>> -> memref<50x64xf32, #tpu.memory_space<hbm>>
      %dma_start3A_551 = arith.constant 650 : i32
      %dma_start3A_552 = arith.constant 0 : i32
      %dma_start3A_553 = tpu.memref_slice %arg6[%dma_start3A_542, %dma_start3A_551, %dma_start3A_552] : memref<2x800x64xf32, #tpu.memory_space<vmem>> -> memref<1x50x64xf32, #tpu.memory_space<vmem>>
      %dma_start3A_554 = tpu.memref_squeeze %dma_start3A_553 : memref<1x50x64xf32, #tpu.memory_space<vmem>> -> memref<50x64xf32, #tpu.memory_space<vmem>>
      tpu.enqueue_dma source(%dma_start3A_554 : memref<50x64xf32, #tpu.memory_space<vmem>>) target(%dma_start3A_550 : memref<50x64xf32, #tpu.memory_space<hbm>>) target_semaphore(%arg9 : memref<!tpu.dma_semaphore, #tpu.memory_space<semaphore_mem>>)
      %mul3A_555 = arith.constant 16 : i32
      %mul3A_556 = arith.muli %add3A_135, %mul3A_555 : i32
      %add3A_557 = arith.addi %mul3A_2, %mul3A_556 : i32
      %add3A_558 = arith.constant 14 : i32
      %add3A_559 = arith.addi %add3A_557, %add3A_558 : i32
      %mul3A_560 = arith.constant 56 : i32
      %mul3A_561 = arith.muli %add3A_559, %mul3A_560 : i32
      %dma_start3A_562 = arith.constant 0 : i32
      %dma_start3A_563 = arith.constant 700 : i32
      %dma_start3A_564 = arith.constant 0 : i32
      %dma_start3A_565 = tpu.memref_slice %arg6[%dma_start3A_562, %dma_start3A_563, %dma_start3A_564] : memref<2x800x64xf32, #tpu.memory_space<vmem>> -> memref<1x50x64xf32, #tpu.memory_space<vmem>>
      %dma_start3A_566 = tpu.memref_squeeze %dma_start3A_565 : memref<1x50x64xf32, #tpu.memory_space<vmem>> -> memref<50x64xf32, #tpu.memory_space<vmem>>
      %dma_start3A_567 = arith.constant 0 : i32
      %dma_start3A_568 = tpu.memref_slice %arg4[%mul3A_561, %dma_start3A_567] : memref<917504x128xf32, #tpu.memory_space<hbm>> -> memref<50x64xf32, #tpu.memory_space<hbm>>
      %dma_start3A_569 = arith.constant 0 : i32
      %dma_start3A_570 = tpu.memref_slice %arg4[%mul3A_561, %dma_start3A_569] : memref<917504x128xf32, #tpu.memory_space<hbm>> -> memref<50x64xf32, #tpu.memory_space<hbm>>
      %dma_start3A_571 = arith.constant 700 : i32
      %dma_start3A_572 = arith.constant 0 : i32
      %dma_start3A_573 = tpu.memref_slice %arg6[%dma_start3A_562, %dma_start3A_571, %dma_start3A_572] : memref<2x800x64xf32, #tpu.memory_space<vmem>> -> memref<1x50x64xf32, #tpu.memory_space<vmem>>
      %dma_start3A_574 = tpu.memref_squeeze %dma_start3A_573 : memref<1x50x64xf32, #tpu.memory_space<vmem>> -> memref<50x64xf32, #tpu.memory_space<vmem>>
      tpu.enqueue_dma source(%dma_start3A_574 : memref<50x64xf32, #tpu.memory_space<vmem>>) target(%dma_start3A_570 : memref<50x64xf32, #tpu.memory_space<hbm>>) target_semaphore(%arg9 : memref<!tpu.dma_semaphore, #tpu.memory_space<semaphore_mem>>)
      %mul3A_575 = arith.constant 16 : i32
      %mul3A_576 = arith.muli %add3A_135, %mul3A_575 : i32
      %add3A_577 = arith.addi %mul3A_2, %mul3A_576 : i32
      %add3A_578 = arith.constant 15 : i32
      %add3A_579 = arith.addi %add3A_577, %add3A_578 : i32
      %mul3A_580 = arith.constant 56 : i32
      %mul3A_581 = arith.muli %add3A_579, %mul3A_580 : i32
      %dma_start3A_582 = arith.constant 0 : i32
      %dma_start3A_583 = arith.constant 750 : i32
      %dma_start3A_584 = arith.constant 0 : i32
      %dma_start3A_585 = tpu.memref_slice %arg6[%dma_start3A_582, %dma_start3A_583, %dma_start3A_584] : memref<2x800x64xf32, #tpu.memory_space<vmem>> -> memref<1x50x64xf32, #tpu.memory_space<vmem>>
      %dma_start3A_586 = tpu.memref_squeeze %dma_start3A_585 : memref<1x50x64xf32, #tpu.memory_space<vmem>> -> memref<50x64xf32, #tpu.memory_space<vmem>>
      %dma_start3A_587 = arith.constant 0 : i32
      %dma_start3A_588 = tpu.memref_slice %arg4[%mul3A_581, %dma_start3A_587] : memref<917504x128xf32, #tpu.memory_space<hbm>> -> memref<50x64xf32, #tpu.memory_space<hbm>>
      %dma_start3A_589 = arith.constant 0 : i32
      %dma_start3A_590 = tpu.memref_slice %arg4[%mul3A_581, %dma_start3A_589] : memref<917504x128xf32, #tpu.memory_space<hbm>> -> memref<50x64xf32, #tpu.memory_space<hbm>>
      %dma_start3A_591 = arith.constant 750 : i32
      %dma_start3A_592 = arith.constant 0 : i32
      %dma_start3A_593 = tpu.memref_slice %arg6[%dma_start3A_582, %dma_start3A_591, %dma_start3A_592] : memref<2x800x64xf32, #tpu.memory_space<vmem>> -> memref<1x50x64xf32, #tpu.memory_space<vmem>>
      %dma_start3A_594 = tpu.memref_squeeze %dma_start3A_593 : memref<1x50x64xf32, #tpu.memory_space<vmem>> -> memref<50x64xf32, #tpu.memory_space<vmem>>
      tpu.enqueue_dma source(%dma_start3A_594 : memref<50x64xf32, #tpu.memory_space<vmem>>) target(%dma_start3A_590 : memref<50x64xf32, #tpu.memory_space<hbm>>) target_semaphore(%arg9 : memref<!tpu.dma_semaphore, #tpu.memory_space<semaphore_mem>>)
      %add3A_595 = arith.constant 2 : i32
      %add3A_596 = arith.addi %add3A_135, %add3A_595 : i32
      %lt3A = arith.constant 32 : i32
      %lt3A_597 = arith.cmpi slt, %add3A_596, %lt3A : i32
      %convert_element_type3A_598 = arith.extui %lt3A_597 : i1 to i32
      %cond3A_599 = arith.constant 0 : i32
      %cond3A_600 = arith.cmpi ne, %convert_element_type3A_598, %cond3A_599 : i32
      scf.if %cond3A_600 {
        %dma_wait3A_938 = arith.constant 0 : i32
        %dma_wait3A_939 = arith.constant 0 : i32
        %dma_wait3A_940 = arith.constant 0 : i32
        %dma_wait3A_941 = tpu.memref_slice %arg6[%dma_wait3A_938, %dma_wait3A_939, %dma_wait3A_940] : memref<2x800x64xf32, #tpu.memory_space<vmem>> -> memref<1x800x64xf32, #tpu.memory_space<vmem>>
        %dma_wait3A_942 = tpu.memref_squeeze %dma_wait3A_941 : memref<1x800x64xf32, #tpu.memory_space<vmem>> -> memref<800x64xf32, #tpu.memory_space<vmem>>
        %dma_wait3A_943 = arith.constant 0 : i32
        %dma_wait3A_944 = arith.constant 0 : i32
        %dma_wait3A_945 = tpu.memref_slice %arg4[%dma_wait3A_943, %dma_wait3A_944] : memref<917504x128xf32, #tpu.memory_space<hbm>> -> memref<800x64xf32, #tpu.memory_space<hbm>>
        %dma_wait3A_946 = arith.constant 0 : i32
        %dma_wait3A_947 = arith.constant 0 : i32
        %dma_wait3A_948 = tpu.memref_slice %arg4[%dma_wait3A_946, %dma_wait3A_947] : memref<917504x128xf32, #tpu.memory_space<hbm>> -> memref<800x64xf32, #tpu.memory_space<hbm>>
        %dma_wait3A_949 = arith.constant 0 : i32
        %dma_wait3A_950 = arith.constant 0 : i32
        %dma_wait3A_951 = tpu.memref_slice %arg6[%dma_wait3A_938, %dma_wait3A_949, %dma_wait3A_950] : memref<2x800x64xf32, #tpu.memory_space<vmem>> -> memref<1x800x64xf32, #tpu.memory_space<vmem>>
        %dma_wait3A_952 = tpu.memref_squeeze %dma_wait3A_951 : memref<1x800x64xf32, #tpu.memory_space<vmem>> -> memref<800x64xf32, #tpu.memory_space<vmem>>
        tpu.wait_dma2 semaphore(%arg9 : memref<!tpu.dma_semaphore, #tpu.memory_space<semaphore_mem>>) src(%dma_wait3A_952 : memref<800x64xf32, #tpu.memory_space<vmem>>) dst(%dma_wait3A_948 : memref<800x64xf32, #tpu.memory_space<hbm>>)
        %add3A_953 = arith.constant 2 : i32
        %add3A_954 = arith.addi %add3A_135, %add3A_953 : i32
        %mul3A_955 = arith.constant 8 : i32
        %mul3A_956 = arith.muli %add3A_954, %mul3A_955 : i32
        %add3A_957 = arith.constant 0 : i32
        %add3A_958 = arith.addi %mul3A_956, %add3A_957 : i32
        %dma_start3A_959 = arith.constant 0 : i32
        %dma_start3A_960 = arith.constant 0 : i32
        %dma_start3A_961 = arith.constant 0 : i32
        %dma_start3A_962 = tpu.memref_slice %arg6[%dma_start3A_959, %dma_start3A_960, %dma_start3A_961] : memref<2x800x64xf32, #tpu.memory_space<vmem>> -> memref<1x100x64xf32, #tpu.memory_space<vmem>>
        %dma_start3A_963 = tpu.memref_squeeze %dma_start3A_962 : memref<1x100x64xf32, #tpu.memory_space<vmem>> -> memref<100x64xf32, #tpu.memory_space<vmem>>
        %dma_start3A_964 = arith.constant 0 : i32
        %dma_start3A_965 = tpu.memref_slice %arg5[%add3A_958, %dma_start3A_964] : memref<256x100xi32, #tpu.memory_space<vmem>> -> memref<1x100xi32, #tpu.memory_space<vmem>>
        %dma_start3A_966 = tpu.memref_squeeze %dma_start3A_965 : memref<1x100xi32, #tpu.memory_space<vmem>> -> memref<100xi32, #tpu.memory_space<vmem>>
        %dma_start3A_967 = arith.constant 0 : i32
        %dma_start3A_968 = arith.constant 0 : i32
        %dma_start3A_969 = tpu.memref_slice %arg3[%dma_start3A_967, %dma_start3A_968] : memref<1000000x64xf32, #tpu.memory_space<hbm>> -> memref<1000000x64xf32, #tpu.memory_space<hbm>>
        tpu.enqueue_indirect_dma source(%dma_start3A_969 : memref<1000000x64xf32, #tpu.memory_space<hbm>>) target(%dma_start3A_963 : memref<100x64xf32, #tpu.memory_space<vmem>>) offsets(%dma_start3A_966 : memref<100xi32, #tpu.memory_space<vmem>>) semaphore(%arg7 : memref<!tpu.dma_semaphore, #tpu.memory_space<semaphore_mem>>)
        %mul3A_970 = arith.constant 8 : i32
        %mul3A_971 = arith.muli %add3A_954, %mul3A_970 : i32
        %add3A_972 = arith.constant 1 : i32
        %add3A_973 = arith.addi %mul3A_971, %add3A_972 : i32
        %dma_start3A_974 = arith.constant 0 : i32
        %dma_start3A_975 = arith.constant 100 : i32
        %dma_start3A_976 = arith.constant 0 : i32
        %dma_start3A_977 = tpu.memref_slice %arg6[%dma_start3A_974, %dma_start3A_975, %dma_start3A_976] : memref<2x800x64xf32, #tpu.memory_space<vmem>> -> memref<1x100x64xf32, #tpu.memory_space<vmem>>
        %dma_start3A_978 = tpu.memref_squeeze %dma_start3A_977 : memref<1x100x64xf32, #tpu.memory_space<vmem>> -> memref<100x64xf32, #tpu.memory_space<vmem>>
        %dma_start3A_979 = arith.constant 0 : i32
        %dma_start3A_980 = tpu.memref_slice %arg5[%add3A_973, %dma_start3A_979] : memref<256x100xi32, #tpu.memory_space<vmem>> -> memref<1x100xi32, #tpu.memory_space<vmem>>
        %dma_start3A_981 = tpu.memref_squeeze %dma_start3A_980 : memref<1x100xi32, #tpu.memory_space<vmem>> -> memref<100xi32, #tpu.memory_space<vmem>>
        %dma_start3A_982 = arith.constant 0 : i32
        %dma_start3A_983 = arith.constant 0 : i32
        %dma_start3A_984 = tpu.memref_slice %arg3[%dma_start3A_982, %dma_start3A_983] : memref<1000000x64xf32, #tpu.memory_space<hbm>> -> memref<1000000x64xf32, #tpu.memory_space<hbm>>
        tpu.enqueue_indirect_dma source(%dma_start3A_984 : memref<1000000x64xf32, #tpu.memory_space<hbm>>) target(%dma_start3A_978 : memref<100x64xf32, #tpu.memory_space<vmem>>) offsets(%dma_start3A_981 : memref<100xi32, #tpu.memory_space<vmem>>) semaphore(%arg7 : memref<!tpu.dma_semaphore, #tpu.memory_space<semaphore_mem>>)
        %mul3A_985 = arith.constant 8 : i32
        %mul3A_986 = arith.muli %add3A_954, %mul3A_985 : i32
        %add3A_987 = arith.constant 2 : i32
        %add3A_988 = arith.addi %mul3A_986, %add3A_987 : i32
        %dma_start3A_989 = arith.constant 0 : i32
        %dma_start3A_990 = arith.constant 200 : i32
        %dma_start3A_991 = arith.constant 0 : i32
        %dma_start3A_992 = tpu.memref_slice %arg6[%dma_start3A_989, %dma_start3A_990, %dma_start3A_991] : memref<2x800x64xf32, #tpu.memory_space<vmem>> -> memref<1x100x64xf32, #tpu.memory_space<vmem>>
        %dma_start3A_993 = tpu.memref_squeeze %dma_start3A_992 : memref<1x100x64xf32, #tpu.memory_space<vmem>> -> memref<100x64xf32, #tpu.memory_space<vmem>>
        %dma_start3A_994 = arith.constant 0 : i32
        %dma_start3A_995 = tpu.memref_slice %arg5[%add3A_988, %dma_start3A_994] : memref<256x100xi32, #tpu.memory_space<vmem>> -> memref<1x100xi32, #tpu.memory_space<vmem>>
        %dma_start3A_996 = tpu.memref_squeeze %dma_start3A_995 : memref<1x100xi32, #tpu.memory_space<vmem>> -> memref<100xi32, #tpu.memory_space<vmem>>
        %dma_start3A_997 = arith.constant 0 : i32
        %dma_start3A_998 = arith.constant 0 : i32
        %dma_start3A_999 = tpu.memref_slice %arg3[%dma_start3A_997, %dma_start3A_998] : memref<1000000x64xf32, #tpu.memory_space<hbm>> -> memref<1000000x64xf32, #tpu.memory_space<hbm>>
        tpu.enqueue_indirect_dma source(%dma_start3A_999 : memref<1000000x64xf32, #tpu.memory_space<hbm>>) target(%dma_start3A_993 : memref<100x64xf32, #tpu.memory_space<vmem>>) offsets(%dma_start3A_996 : memref<100xi32, #tpu.memory_space<vmem>>) semaphore(%arg7 : memref<!tpu.dma_semaphore, #tpu.memory_space<semaphore_mem>>)
        %mul3A_1000 = arith.constant 8 : i32
        %mul3A_1001 = arith.muli %add3A_954, %mul3A_1000 : i32
        %add3A_1002 = arith.constant 3 : i32
        %add3A_1003 = arith.addi %mul3A_1001, %add3A_1002 : i32
        %dma_start3A_1004 = arith.constant 0 : i32
        %dma_start3A_1005 = arith.constant 300 : i32
        %dma_start3A_1006 = arith.constant 0 : i32
        %dma_start3A_1007 = tpu.memref_slice %arg6[%dma_start3A_1004, %dma_start3A_1005, %dma_start3A_1006] : memref<2x800x64xf32, #tpu.memory_space<vmem>> -> memref<1x100x64xf32, #tpu.memory_space<vmem>>
        %dma_start3A_1008 = tpu.memref_squeeze %dma_start3A_1007 : memref<1x100x64xf32, #tpu.memory_space<vmem>> -> memref<100x64xf32, #tpu.memory_space<vmem>>
        %dma_start3A_1009 = arith.constant 0 : i32
        %dma_start3A_1010 = tpu.memref_slice %arg5[%add3A_1003, %dma_start3A_1009] : memref<256x100xi32, #tpu.memory_space<vmem>> -> memref<1x100xi32, #tpu.memory_space<vmem>>
        %dma_start3A_1011 = tpu.memref_squeeze %dma_start3A_1010 : memref<1x100xi32, #tpu.memory_space<vmem>> -> memref<100xi32, #tpu.memory_space<vmem>>
        %dma_start3A_1012 = arith.constant 0 : i32
        %dma_start3A_1013 = arith.constant 0 : i32
        %dma_start3A_1014 = tpu.memref_slice %arg3[%dma_start3A_1012, %dma_start3A_1013] : memref<1000000x64xf32, #tpu.memory_space<hbm>> -> memref<1000000x64xf32, #tpu.memory_space<hbm>>
        tpu.enqueue_indirect_dma source(%dma_start3A_1014 : memref<1000000x64xf32, #tpu.memory_space<hbm>>) target(%dma_start3A_1008 : memref<100x64xf32, #tpu.memory_space<vmem>>) offsets(%dma_start3A_1011 : memref<100xi32, #tpu.memory_space<vmem>>) semaphore(%arg7 : memref<!tpu.dma_semaphore, #tpu.memory_space<semaphore_mem>>)
        %mul3A_1015 = arith.constant 8 : i32
        %mul3A_1016 = arith.muli %add3A_954, %mul3A_1015 : i32
        %add3A_1017 = arith.constant 4 : i32
        %add3A_1018 = arith.addi %mul3A_1016, %add3A_1017 : i32
        %dma_start3A_1019 = arith.constant 0 : i32
        %dma_start3A_1020 = arith.constant 400 : i32
        %dma_start3A_1021 = arith.constant 0 : i32
        %dma_start3A_1022 = tpu.memref_slice %arg6[%dma_start3A_1019, %dma_start3A_1020, %dma_start3A_1021] : memref<2x800x64xf32, #tpu.memory_space<vmem>> -> memref<1x100x64xf32, #tpu.memory_space<vmem>>
        %dma_start3A_1023 = tpu.memref_squeeze %dma_start3A_1022 : memref<1x100x64xf32, #tpu.memory_space<vmem>> -> memref<100x64xf32, #tpu.memory_space<vmem>>
        %dma_start3A_1024 = arith.constant 0 : i32
        %dma_start3A_1025 = tpu.memref_slice %arg5[%add3A_1018, %dma_start3A_1024] : memref<256x100xi32, #tpu.memory_space<vmem>> -> memref<1x100xi32, #tpu.memory_space<vmem>>
        %dma_start3A_1026 = tpu.memref_squeeze %dma_start3A_1025 : memref<1x100xi32, #tpu.memory_space<vmem>> -> memref<100xi32, #tpu.memory_space<vmem>>
        %dma_start3A_1027 = arith.constant 0 : i32
        %dma_start3A_1028 = arith.constant 0 : i32
        %dma_start3A_1029 = tpu.memref_slice %arg3[%dma_start3A_1027, %dma_start3A_1028] : memref<1000000x64xf32, #tpu.memory_space<hbm>> -> memref<1000000x64xf32, #tpu.memory_space<hbm>>
        tpu.enqueue_indirect_dma source(%dma_start3A_1029 : memref<1000000x64xf32, #tpu.memory_space<hbm>>) target(%dma_start3A_1023 : memref<100x64xf32, #tpu.memory_space<vmem>>) offsets(%dma_start3A_1026 : memref<100xi32, #tpu.memory_space<vmem>>) semaphore(%arg7 : memref<!tpu.dma_semaphore, #tpu.memory_space<semaphore_mem>>)
        %mul3A_1030 = arith.constant 8 : i32
        %mul3A_1031 = arith.muli %add3A_954, %mul3A_1030 : i32
        %add3A_1032 = arith.constant 5 : i32
        %add3A_1033 = arith.addi %mul3A_1031, %add3A_1032 : i32
        %dma_start3A_1034 = arith.constant 0 : i32
        %dma_start3A_1035 = arith.constant 500 : i32
        %dma_start3A_1036 = arith.constant 0 : i32
        %dma_start3A_1037 = tpu.memref_slice %arg6[%dma_start3A_1034, %dma_start3A_1035, %dma_start3A_1036] : memref<2x800x64xf32, #tpu.memory_space<vmem>> -> memref<1x100x64xf32, #tpu.memory_space<vmem>>
        %dma_start3A_1038 = tpu.memref_squeeze %dma_start3A_1037 : memref<1x100x64xf32, #tpu.memory_space<vmem>> -> memref<100x64xf32, #tpu.memory_space<vmem>>
        %dma_start3A_1039 = arith.constant 0 : i32
        %dma_start3A_1040 = tpu.memref_slice %arg5[%add3A_1033, %dma_start3A_1039] : memref<256x100xi32, #tpu.memory_space<vmem>> -> memref<1x100xi32, #tpu.memory_space<vmem>>
        %dma_start3A_1041 = tpu.memref_squeeze %dma_start3A_1040 : memref<1x100xi32, #tpu.memory_space<vmem>> -> memref<100xi32, #tpu.memory_space<vmem>>
        %dma_start3A_1042 = arith.constant 0 : i32
        %dma_start3A_1043 = arith.constant 0 : i32
        %dma_start3A_1044 = tpu.memref_slice %arg3[%dma_start3A_1042, %dma_start3A_1043] : memref<1000000x64xf32, #tpu.memory_space<hbm>> -> memref<1000000x64xf32, #tpu.memory_space<hbm>>
        tpu.enqueue_indirect_dma source(%dma_start3A_1044 : memref<1000000x64xf32, #tpu.memory_space<hbm>>) target(%dma_start3A_1038 : memref<100x64xf32, #tpu.memory_space<vmem>>) offsets(%dma_start3A_1041 : memref<100xi32, #tpu.memory_space<vmem>>) semaphore(%arg7 : memref<!tpu.dma_semaphore, #tpu.memory_space<semaphore_mem>>)
        %mul3A_1045 = arith.constant 8 : i32
        %mul3A_1046 = arith.muli %add3A_954, %mul3A_1045 : i32
        %add3A_1047 = arith.constant 6 : i32
        %add3A_1048 = arith.addi %mul3A_1046, %add3A_1047 : i32
        %dma_start3A_1049 = arith.constant 0 : i32
        %dma_start3A_1050 = arith.constant 600 : i32
        %dma_start3A_1051 = arith.constant 0 : i32
        %dma_start3A_1052 = tpu.memref_slice %arg6[%dma_start3A_1049, %dma_start3A_1050, %dma_start3A_1051] : memref<2x800x64xf32, #tpu.memory_space<vmem>> -> memref<1x100x64xf32, #tpu.memory_space<vmem>>
        %dma_start3A_1053 = tpu.memref_squeeze %dma_start3A_1052 : memref<1x100x64xf32, #tpu.memory_space<vmem>> -> memref<100x64xf32, #tpu.memory_space<vmem>>
        %dma_start3A_1054 = arith.constant 0 : i32
        %dma_start3A_1055 = tpu.memref_slice %arg5[%add3A_1048, %dma_start3A_1054] : memref<256x100xi32, #tpu.memory_space<vmem>> -> memref<1x100xi32, #tpu.memory_space<vmem>>
        %dma_start3A_1056 = tpu.memref_squeeze %dma_start3A_1055 : memref<1x100xi32, #tpu.memory_space<vmem>> -> memref<100xi32, #tpu.memory_space<vmem>>
        %dma_start3A_1057 = arith.constant 0 : i32
        %dma_start3A_1058 = arith.constant 0 : i32
        %dma_start3A_1059 = tpu.memref_slice %arg3[%dma_start3A_1057, %dma_start3A_1058] : memref<1000000x64xf32, #tpu.memory_space<hbm>> -> memref<1000000x64xf32, #tpu.memory_space<hbm>>
        tpu.enqueue_indirect_dma source(%dma_start3A_1059 : memref<1000000x64xf32, #tpu.memory_space<hbm>>) target(%dma_start3A_1053 : memref<100x64xf32, #tpu.memory_space<vmem>>) offsets(%dma_start3A_1056 : memref<100xi32, #tpu.memory_space<vmem>>) semaphore(%arg7 : memref<!tpu.dma_semaphore, #tpu.memory_space<semaphore_mem>>)
        %mul3A_1060 = arith.constant 8 : i32
        %mul3A_1061 = arith.muli %add3A_954, %mul3A_1060 : i32
        %add3A_1062 = arith.constant 7 : i32
        %add3A_1063 = arith.addi %mul3A_1061, %add3A_1062 : i32
        %dma_start3A_1064 = arith.constant 0 : i32
        %dma_start3A_1065 = arith.constant 700 : i32
        %dma_start3A_1066 = arith.constant 0 : i32
        %dma_start3A_1067 = tpu.memref_slice %arg6[%dma_start3A_1064, %dma_start3A_1065, %dma_start3A_1066] : memref<2x800x64xf32, #tpu.memory_space<vmem>> -> memref<1x100x64xf32, #tpu.memory_space<vmem>>
        %dma_start3A_1068 = tpu.memref_squeeze %dma_start3A_1067 : memref<1x100x64xf32, #tpu.memory_space<vmem>> -> memref<100x64xf32, #tpu.memory_space<vmem>>
        %dma_start3A_1069 = arith.constant 0 : i32
        %dma_start3A_1070 = tpu.memref_slice %arg5[%add3A_1063, %dma_start3A_1069] : memref<256x100xi32, #tpu.memory_space<vmem>> -> memref<1x100xi32, #tpu.memory_space<vmem>>
        %dma_start3A_1071 = tpu.memref_squeeze %dma_start3A_1070 : memref<1x100xi32, #tpu.memory_space<vmem>> -> memref<100xi32, #tpu.memory_space<vmem>>
        %dma_start3A_1072 = arith.constant 0 : i32
        %dma_start3A_1073 = arith.constant 0 : i32
        %dma_start3A_1074 = tpu.memref_slice %arg3[%dma_start3A_1072, %dma_start3A_1073] : memref<1000000x64xf32, #tpu.memory_space<hbm>> -> memref<1000000x64xf32, #tpu.memory_space<hbm>>
        tpu.enqueue_indirect_dma source(%dma_start3A_1074 : memref<1000000x64xf32, #tpu.memory_space<hbm>>) target(%dma_start3A_1068 : memref<100x64xf32, #tpu.memory_space<vmem>>) offsets(%dma_start3A_1071 : memref<100xi32, #tpu.memory_space<vmem>>) semaphore(%arg7 : memref<!tpu.dma_semaphore, #tpu.memory_space<semaphore_mem>>)
      } else {
      }
      %dma_wait3A_601 = arith.constant 1 : i32
      %dma_wait3A_602 = arith.constant 0 : i32
      %dma_wait3A_603 = arith.constant 0 : i32
      %dma_wait3A_604 = tpu.memref_slice %arg6[%dma_wait3A_601, %dma_wait3A_602, %dma_wait3A_603] : memref<2x800x64xf32, #tpu.memory_space<vmem>> -> memref<1x800x64xf32, #tpu.memory_space<vmem>>
      %dma_wait3A_605 = tpu.memref_squeeze %dma_wait3A_604 : memref<1x800x64xf32, #tpu.memory_space<vmem>> -> memref<800x64xf32, #tpu.memory_space<vmem>>
      %dma_wait3A_606 = arith.constant 0 : i32
      %dma_wait3A_607 = arith.constant 0 : i32
      %dma_wait3A_608 = tpu.memref_slice %arg4[%dma_wait3A_606, %dma_wait3A_607] : memref<917504x128xf32, #tpu.memory_space<hbm>> -> memref<800x64xf32, #tpu.memory_space<hbm>>
      %dma_wait3A_609 = arith.constant 0 : i32
      %dma_wait3A_610 = arith.constant 0 : i32
      %dma_wait3A_611 = tpu.memref_slice %arg6[%dma_wait3A_601, %dma_wait3A_609, %dma_wait3A_610] : memref<2x800x64xf32, #tpu.memory_space<vmem>> -> memref<1x800x64xf32, #tpu.memory_space<vmem>>
      %dma_wait3A_612 = tpu.memref_squeeze %dma_wait3A_611 : memref<1x800x64xf32, #tpu.memory_space<vmem>> -> memref<800x64xf32, #tpu.memory_space<vmem>>
      %dma_wait3A_613 = arith.constant 0 : i32
      %dma_wait3A_614 = arith.constant 0 : i32
      %dma_wait3A_615 = tpu.memref_slice %arg4[%dma_wait3A_613, %dma_wait3A_614] : memref<917504x128xf32, #tpu.memory_space<hbm>> -> memref<800x64xf32, #tpu.memory_space<hbm>>
      tpu.wait_dma2 semaphore(%arg8 : memref<!tpu.dma_semaphore, #tpu.memory_space<semaphore_mem>>) src(%dma_wait3A_615 : memref<800x64xf32, #tpu.memory_space<hbm>>) dst(%dma_wait3A_612 : memref<800x64xf32, #tpu.memory_space<vmem>>)
      %add3A_616 = arith.constant 1 : i32
      %add3A_617 = arith.addi %add3A_135, %add3A_616 : i32
      %mul3A_618 = arith.constant 16 : i32
      %mul3A_619 = arith.muli %add3A_617, %mul3A_618 : i32
      %add3A_620 = arith.addi %mul3A_2, %mul3A_619 : i32
      %add3A_621 = arith.constant 0 : i32
      %add3A_622 = arith.addi %add3A_620, %add3A_621 : i32
      %mul3A_623 = arith.constant 56 : i32
      %mul3A_624 = arith.muli %add3A_622, %mul3A_623 : i32
      %dma_start3A_625 = arith.constant 1 : i32
      %dma_start3A_626 = arith.constant 0 : i32
      %dma_start3A_627 = arith.constant 0 : i32
      %dma_start3A_628 = tpu.memref_slice %arg6[%dma_start3A_625, %dma_start3A_626, %dma_start3A_627] : memref<2x800x64xf32, #tpu.memory_space<vmem>> -> memref<1x50x64xf32, #tpu.memory_space<vmem>>
      %dma_start3A_629 = tpu.memref_squeeze %dma_start3A_628 : memref<1x50x64xf32, #tpu.memory_space<vmem>> -> memref<50x64xf32, #tpu.memory_space<vmem>>
      %dma_start3A_630 = arith.constant 0 : i32
      %dma_start3A_631 = tpu.memref_slice %arg4[%mul3A_624, %dma_start3A_630] : memref<917504x128xf32, #tpu.memory_space<hbm>> -> memref<50x64xf32, #tpu.memory_space<hbm>>
      %dma_start3A_632 = arith.constant 0 : i32
      %dma_start3A_633 = tpu.memref_slice %arg4[%mul3A_624, %dma_start3A_632] : memref<917504x128xf32, #tpu.memory_space<hbm>> -> memref<50x64xf32, #tpu.memory_space<hbm>>
      %dma_start3A_634 = arith.constant 0 : i32
      %dma_start3A_635 = arith.constant 0 : i32
      %dma_start3A_636 = tpu.memref_slice %arg6[%dma_start3A_625, %dma_start3A_634, %dma_start3A_635] : memref<2x800x64xf32, #tpu.memory_space<vmem>> -> memref<1x50x64xf32, #tpu.memory_space<vmem>>
      %dma_start3A_637 = tpu.memref_squeeze %dma_start3A_636 : memref<1x50x64xf32, #tpu.memory_space<vmem>> -> memref<50x64xf32, #tpu.memory_space<vmem>>
      tpu.enqueue_dma source(%dma_start3A_637 : memref<50x64xf32, #tpu.memory_space<vmem>>) target(%dma_start3A_633 : memref<50x64xf32, #tpu.memory_space<hbm>>) target_semaphore(%arg10 : memref<!tpu.dma_semaphore, #tpu.memory_space<semaphore_mem>>)
      %mul3A_638 = arith.constant 16 : i32
      %mul3A_639 = arith.muli %add3A_617, %mul3A_638 : i32
      %add3A_640 = arith.addi %mul3A_2, %mul3A_639 : i32
      %add3A_641 = arith.constant 1 : i32
      %add3A_642 = arith.addi %add3A_640, %add3A_641 : i32
      %mul3A_643 = arith.constant 56 : i32
      %mul3A_644 = arith.muli %add3A_642, %mul3A_643 : i32
      %dma_start3A_645 = arith.constant 1 : i32
      %dma_start3A_646 = arith.constant 50 : i32
      %dma_start3A_647 = arith.constant 0 : i32
      %dma_start3A_648 = tpu.memref_slice %arg6[%dma_start3A_645, %dma_start3A_646, %dma_start3A_647] : memref<2x800x64xf32, #tpu.memory_space<vmem>> -> memref<1x50x64xf32, #tpu.memory_space<vmem>>
      %dma_start3A_649 = tpu.memref_squeeze %dma_start3A_648 : memref<1x50x64xf32, #tpu.memory_space<vmem>> -> memref<50x64xf32, #tpu.memory_space<vmem>>
      %dma_start3A_650 = arith.constant 0 : i32
      %dma_start3A_651 = tpu.memref_slice %arg4[%mul3A_644, %dma_start3A_650] : memref<917504x128xf32, #tpu.memory_space<hbm>> -> memref<50x64xf32, #tpu.memory_space<hbm>>
      %dma_start3A_652 = arith.constant 0 : i32
      %dma_start3A_653 = tpu.memref_slice %arg4[%mul3A_644, %dma_start3A_652] : memref<917504x128xf32, #tpu.memory_space<hbm>> -> memref<50x64xf32, #tpu.memory_space<hbm>>
      %dma_start3A_654 = arith.constant 50 : i32
      %dma_start3A_655 = arith.constant 0 : i32
      %dma_start3A_656 = tpu.memref_slice %arg6[%dma_start3A_645, %dma_start3A_654, %dma_start3A_655] : memref<2x800x64xf32, #tpu.memory_space<vmem>> -> memref<1x50x64xf32, #tpu.memory_space<vmem>>
      %dma_start3A_657 = tpu.memref_squeeze %dma_start3A_656 : memref<1x50x64xf32, #tpu.memory_space<vmem>> -> memref<50x64xf32, #tpu.memory_space<vmem>>
      tpu.enqueue_dma source(%dma_start3A_657 : memref<50x64xf32, #tpu.memory_space<vmem>>) target(%dma_start3A_653 : memref<50x64xf32, #tpu.memory_space<hbm>>) target_semaphore(%arg10 : memref<!tpu.dma_semaphore, #tpu.memory_space<semaphore_mem>>)
      %mul3A_658 = arith.constant 16 : i32
      %mul3A_659 = arith.muli %add3A_617, %mul3A_658 : i32
      %add3A_660 = arith.addi %mul3A_2, %mul3A_659 : i32
      %add3A_661 = arith.constant 2 : i32
      %add3A_662 = arith.addi %add3A_660, %add3A_661 : i32
      %mul3A_663 = arith.constant 56 : i32
      %mul3A_664 = arith.muli %add3A_662, %mul3A_663 : i32
      %dma_start3A_665 = arith.constant 1 : i32
      %dma_start3A_666 = arith.constant 100 : i32
      %dma_start3A_667 = arith.constant 0 : i32
      %dma_start3A_668 = tpu.memref_slice %arg6[%dma_start3A_665, %dma_start3A_666, %dma_start3A_667] : memref<2x800x64xf32, #tpu.memory_space<vmem>> -> memref<1x50x64xf32, #tpu.memory_space<vmem>>
      %dma_start3A_669 = tpu.memref_squeeze %dma_start3A_668 : memref<1x50x64xf32, #tpu.memory_space<vmem>> -> memref<50x64xf32, #tpu.memory_space<vmem>>
      %dma_start3A_670 = arith.constant 0 : i32
      %dma_start3A_671 = tpu.memref_slice %arg4[%mul3A_664, %dma_start3A_670] : memref<917504x128xf32, #tpu.memory_space<hbm>> -> memref<50x64xf32, #tpu.memory_space<hbm>>
      %dma_start3A_672 = arith.constant 0 : i32
      %dma_start3A_673 = tpu.memref_slice %arg4[%mul3A_664, %dma_start3A_672] : memref<917504x128xf32, #tpu.memory_space<hbm>> -> memref<50x64xf32, #tpu.memory_space<hbm>>
      %dma_start3A_674 = arith.constant 100 : i32
      %dma_start3A_675 = arith.constant 0 : i32
      %dma_start3A_676 = tpu.memref_slice %arg6[%dma_start3A_665, %dma_start3A_674, %dma_start3A_675] : memref<2x800x64xf32, #tpu.memory_space<vmem>> -> memref<1x50x64xf32, #tpu.memory_space<vmem>>
      %dma_start3A_677 = tpu.memref_squeeze %dma_start3A_676 : memref<1x50x64xf32, #tpu.memory_space<vmem>> -> memref<50x64xf32, #tpu.memory_space<vmem>>
      tpu.enqueue_dma source(%dma_start3A_677 : memref<50x64xf32, #tpu.memory_space<vmem>>) target(%dma_start3A_673 : memref<50x64xf32, #tpu.memory_space<hbm>>) target_semaphore(%arg10 : memref<!tpu.dma_semaphore, #tpu.memory_space<semaphore_mem>>)
      %mul3A_678 = arith.constant 16 : i32
      %mul3A_679 = arith.muli %add3A_617, %mul3A_678 : i32
      %add3A_680 = arith.addi %mul3A_2, %mul3A_679 : i32
      %add3A_681 = arith.constant 3 : i32
      %add3A_682 = arith.addi %add3A_680, %add3A_681 : i32
      %mul3A_683 = arith.constant 56 : i32
      %mul3A_684 = arith.muli %add3A_682, %mul3A_683 : i32
      %dma_start3A_685 = arith.constant 1 : i32
      %dma_start3A_686 = arith.constant 150 : i32
      %dma_start3A_687 = arith.constant 0 : i32
      %dma_start3A_688 = tpu.memref_slice %arg6[%dma_start3A_685, %dma_start3A_686, %dma_start3A_687] : memref<2x800x64xf32, #tpu.memory_space<vmem>> -> memref<1x50x64xf32, #tpu.memory_space<vmem>>
      %dma_start3A_689 = tpu.memref_squeeze %dma_start3A_688 : memref<1x50x64xf32, #tpu.memory_space<vmem>> -> memref<50x64xf32, #tpu.memory_space<vmem>>
      %dma_start3A_690 = arith.constant 0 : i32
      %dma_start3A_691 = tpu.memref_slice %arg4[%mul3A_684, %dma_start3A_690] : memref<917504x128xf32, #tpu.memory_space<hbm>> -> memref<50x64xf32, #tpu.memory_space<hbm>>
      %dma_start3A_692 = arith.constant 0 : i32
      %dma_start3A_693 = tpu.memref_slice %arg4[%mul3A_684, %dma_start3A_692] : memref<917504x128xf32, #tpu.memory_space<hbm>> -> memref<50x64xf32, #tpu.memory_space<hbm>>
      %dma_start3A_694 = arith.constant 150 : i32
      %dma_start3A_695 = arith.constant 0 : i32
      %dma_start3A_696 = tpu.memref_slice %arg6[%dma_start3A_685, %dma_start3A_694, %dma_start3A_695] : memref<2x800x64xf32, #tpu.memory_space<vmem>> -> memref<1x50x64xf32, #tpu.memory_space<vmem>>
      %dma_start3A_697 = tpu.memref_squeeze %dma_start3A_696 : memref<1x50x64xf32, #tpu.memory_space<vmem>> -> memref<50x64xf32, #tpu.memory_space<vmem>>
      tpu.enqueue_dma source(%dma_start3A_697 : memref<50x64xf32, #tpu.memory_space<vmem>>) target(%dma_start3A_693 : memref<50x64xf32, #tpu.memory_space<hbm>>) target_semaphore(%arg10 : memref<!tpu.dma_semaphore, #tpu.memory_space<semaphore_mem>>)
      %mul3A_698 = arith.constant 16 : i32
      %mul3A_699 = arith.muli %add3A_617, %mul3A_698 : i32
      %add3A_700 = arith.addi %mul3A_2, %mul3A_699 : i32
      %add3A_701 = arith.constant 4 : i32
      %add3A_702 = arith.addi %add3A_700, %add3A_701 : i32
      %mul3A_703 = arith.constant 56 : i32
      %mul3A_704 = arith.muli %add3A_702, %mul3A_703 : i32
      %dma_start3A_705 = arith.constant 1 : i32
      %dma_start3A_706 = arith.constant 200 : i32
      %dma_start3A_707 = arith.constant 0 : i32
      %dma_start3A_708 = tpu.memref_slice %arg6[%dma_start3A_705, %dma_start3A_706, %dma_start3A_707] : memref<2x800x64xf32, #tpu.memory_space<vmem>> -> memref<1x50x64xf32, #tpu.memory_space<vmem>>
      %dma_start3A_709 = tpu.memref_squeeze %dma_start3A_708 : memref<1x50x64xf32, #tpu.memory_space<vmem>> -> memref<50x64xf32, #tpu.memory_space<vmem>>
      %dma_start3A_710 = arith.constant 0 : i32
      %dma_start3A_711 = tpu.memref_slice %arg4[%mul3A_704, %dma_start3A_710] : memref<917504x128xf32, #tpu.memory_space<hbm>> -> memref<50x64xf32, #tpu.memory_space<hbm>>
      %dma_start3A_712 = arith.constant 0 : i32
      %dma_start3A_713 = tpu.memref_slice %arg4[%mul3A_704, %dma_start3A_712] : memref<917504x128xf32, #tpu.memory_space<hbm>> -> memref<50x64xf32, #tpu.memory_space<hbm>>
      %dma_start3A_714 = arith.constant 200 : i32
      %dma_start3A_715 = arith.constant 0 : i32
      %dma_start3A_716 = tpu.memref_slice %arg6[%dma_start3A_705, %dma_start3A_714, %dma_start3A_715] : memref<2x800x64xf32, #tpu.memory_space<vmem>> -> memref<1x50x64xf32, #tpu.memory_space<vmem>>
      %dma_start3A_717 = tpu.memref_squeeze %dma_start3A_716 : memref<1x50x64xf32, #tpu.memory_space<vmem>> -> memref<50x64xf32, #tpu.memory_space<vmem>>
      tpu.enqueue_dma source(%dma_start3A_717 : memref<50x64xf32, #tpu.memory_space<vmem>>) target(%dma_start3A_713 : memref<50x64xf32, #tpu.memory_space<hbm>>) target_semaphore(%arg10 : memref<!tpu.dma_semaphore, #tpu.memory_space<semaphore_mem>>)
      %mul3A_718 = arith.constant 16 : i32
      %mul3A_719 = arith.muli %add3A_617, %mul3A_718 : i32
      %add3A_720 = arith.addi %mul3A_2, %mul3A_719 : i32
      %add3A_721 = arith.constant 5 : i32
      %add3A_722 = arith.addi %add3A_720, %add3A_721 : i32
      %mul3A_723 = arith.constant 56 : i32
      %mul3A_724 = arith.muli %add3A_722, %mul3A_723 : i32
      %dma_start3A_725 = arith.constant 1 : i32
      %dma_start3A_726 = arith.constant 250 : i32
      %dma_start3A_727 = arith.constant 0 : i32
      %dma_start3A_728 = tpu.memref_slice %arg6[%dma_start3A_725, %dma_start3A_726, %dma_start3A_727] : memref<2x800x64xf32, #tpu.memory_space<vmem>> -> memref<1x50x64xf32, #tpu.memory_space<vmem>>
      %dma_start3A_729 = tpu.memref_squeeze %dma_start3A_728 : memref<1x50x64xf32, #tpu.memory_space<vmem>> -> memref<50x64xf32, #tpu.memory_space<vmem>>
      %dma_start3A_730 = arith.constant 0 : i32
      %dma_start3A_731 = tpu.memref_slice %arg4[%mul3A_724, %dma_start3A_730] : memref<917504x128xf32, #tpu.memory_space<hbm>> -> memref<50x64xf32, #tpu.memory_space<hbm>>
      %dma_start3A_732 = arith.constant 0 : i32
      %dma_start3A_733 = tpu.memref_slice %arg4[%mul3A_724, %dma_start3A_732] : memref<917504x128xf32, #tpu.memory_space<hbm>> -> memref<50x64xf32, #tpu.memory_space<hbm>>
      %dma_start3A_734 = arith.constant 250 : i32
      %dma_start3A_735 = arith.constant 0 : i32
      %dma_start3A_736 = tpu.memref_slice %arg6[%dma_start3A_725, %dma_start3A_734, %dma_start3A_735] : memref<2x800x64xf32, #tpu.memory_space<vmem>> -> memref<1x50x64xf32, #tpu.memory_space<vmem>>
      %dma_start3A_737 = tpu.memref_squeeze %dma_start3A_736 : memref<1x50x64xf32, #tpu.memory_space<vmem>> -> memref<50x64xf32, #tpu.memory_space<vmem>>
      tpu.enqueue_dma source(%dma_start3A_737 : memref<50x64xf32, #tpu.memory_space<vmem>>) target(%dma_start3A_733 : memref<50x64xf32, #tpu.memory_space<hbm>>) target_semaphore(%arg10 : memref<!tpu.dma_semaphore, #tpu.memory_space<semaphore_mem>>)
      %mul3A_738 = arith.constant 16 : i32
      %mul3A_739 = arith.muli %add3A_617, %mul3A_738 : i32
      %add3A_740 = arith.addi %mul3A_2, %mul3A_739 : i32
      %add3A_741 = arith.constant 6 : i32
      %add3A_742 = arith.addi %add3A_740, %add3A_741 : i32
      %mul3A_743 = arith.constant 56 : i32
      %mul3A_744 = arith.muli %add3A_742, %mul3A_743 : i32
      %dma_start3A_745 = arith.constant 1 : i32
      %dma_start3A_746 = arith.constant 300 : i32
      %dma_start3A_747 = arith.constant 0 : i32
      %dma_start3A_748 = tpu.memref_slice %arg6[%dma_start3A_745, %dma_start3A_746, %dma_start3A_747] : memref<2x800x64xf32, #tpu.memory_space<vmem>> -> memref<1x50x64xf32, #tpu.memory_space<vmem>>
      %dma_start3A_749 = tpu.memref_squeeze %dma_start3A_748 : memref<1x50x64xf32, #tpu.memory_space<vmem>> -> memref<50x64xf32, #tpu.memory_space<vmem>>
      %dma_start3A_750 = arith.constant 0 : i32
      %dma_start3A_751 = tpu.memref_slice %arg4[%mul3A_744, %dma_start3A_750] : memref<917504x128xf32, #tpu.memory_space<hbm>> -> memref<50x64xf32, #tpu.memory_space<hbm>>
      %dma_start3A_752 = arith.constant 0 : i32
      %dma_start3A_753 = tpu.memref_slice %arg4[%mul3A_744, %dma_start3A_752] : memref<917504x128xf32, #tpu.memory_space<hbm>> -> memref<50x64xf32, #tpu.memory_space<hbm>>
      %dma_start3A_754 = arith.constant 300 : i32
      %dma_start3A_755 = arith.constant 0 : i32
      %dma_start3A_756 = tpu.memref_slice %arg6[%dma_start3A_745, %dma_start3A_754, %dma_start3A_755] : memref<2x800x64xf32, #tpu.memory_space<vmem>> -> memref<1x50x64xf32, #tpu.memory_space<vmem>>
      %dma_start3A_757 = tpu.memref_squeeze %dma_start3A_756 : memref<1x50x64xf32, #tpu.memory_space<vmem>> -> memref<50x64xf32, #tpu.memory_space<vmem>>
      tpu.enqueue_dma source(%dma_start3A_757 : memref<50x64xf32, #tpu.memory_space<vmem>>) target(%dma_start3A_753 : memref<50x64xf32, #tpu.memory_space<hbm>>) target_semaphore(%arg10 : memref<!tpu.dma_semaphore, #tpu.memory_space<semaphore_mem>>)
      %mul3A_758 = arith.constant 16 : i32
      %mul3A_759 = arith.muli %add3A_617, %mul3A_758 : i32
      %add3A_760 = arith.addi %mul3A_2, %mul3A_759 : i32
      %add3A_761 = arith.constant 7 : i32
      %add3A_762 = arith.addi %add3A_760, %add3A_761 : i32
      %mul3A_763 = arith.constant 56 : i32
      %mul3A_764 = arith.muli %add3A_762, %mul3A_763 : i32
      %dma_start3A_765 = arith.constant 1 : i32
      %dma_start3A_766 = arith.constant 350 : i32
      %dma_start3A_767 = arith.constant 0 : i32
      %dma_start3A_768 = tpu.memref_slice %arg6[%dma_start3A_765, %dma_start3A_766, %dma_start3A_767] : memref<2x800x64xf32, #tpu.memory_space<vmem>> -> memref<1x50x64xf32, #tpu.memory_space<vmem>>
      %dma_start3A_769 = tpu.memref_squeeze %dma_start3A_768 : memref<1x50x64xf32, #tpu.memory_space<vmem>> -> memref<50x64xf32, #tpu.memory_space<vmem>>
      %dma_start3A_770 = arith.constant 0 : i32
      %dma_start3A_771 = tpu.memref_slice %arg4[%mul3A_764, %dma_start3A_770] : memref<917504x128xf32, #tpu.memory_space<hbm>> -> memref<50x64xf32, #tpu.memory_space<hbm>>
      %dma_start3A_772 = arith.constant 0 : i32
      %dma_start3A_773 = tpu.memref_slice %arg4[%mul3A_764, %dma_start3A_772] : memref<917504x128xf32, #tpu.memory_space<hbm>> -> memref<50x64xf32, #tpu.memory_space<hbm>>
      %dma_start3A_774 = arith.constant 350 : i32
      %dma_start3A_775 = arith.constant 0 : i32
      %dma_start3A_776 = tpu.memref_slice %arg6[%dma_start3A_765, %dma_start3A_774, %dma_start3A_775] : memref<2x800x64xf32, #tpu.memory_space<vmem>> -> memref<1x50x64xf32, #tpu.memory_space<vmem>>
      %dma_start3A_777 = tpu.memref_squeeze %dma_start3A_776 : memref<1x50x64xf32, #tpu.memory_space<vmem>> -> memref<50x64xf32, #tpu.memory_space<vmem>>
      tpu.enqueue_dma source(%dma_start3A_777 : memref<50x64xf32, #tpu.memory_space<vmem>>) target(%dma_start3A_773 : memref<50x64xf32, #tpu.memory_space<hbm>>) target_semaphore(%arg10 : memref<!tpu.dma_semaphore, #tpu.memory_space<semaphore_mem>>)
      %mul3A_778 = arith.constant 16 : i32
      %mul3A_779 = arith.muli %add3A_617, %mul3A_778 : i32
      %add3A_780 = arith.addi %mul3A_2, %mul3A_779 : i32
      %add3A_781 = arith.constant 8 : i32
      %add3A_782 = arith.addi %add3A_780, %add3A_781 : i32
      %mul3A_783 = arith.constant 56 : i32
      %mul3A_784 = arith.muli %add3A_782, %mul3A_783 : i32
      %dma_start3A_785 = arith.constant 1 : i32
      %dma_start3A_786 = arith.constant 400 : i32
      %dma_start3A_787 = arith.constant 0 : i32
      %dma_start3A_788 = tpu.memref_slice %arg6[%dma_start3A_785, %dma_start3A_786, %dma_start3A_787] : memref<2x800x64xf32, #tpu.memory_space<vmem>> -> memref<1x50x64xf32, #tpu.memory_space<vmem>>
      %dma_start3A_789 = tpu.memref_squeeze %dma_start3A_788 : memref<1x50x64xf32, #tpu.memory_space<vmem>> -> memref<50x64xf32, #tpu.memory_space<vmem>>
      %dma_start3A_790 = arith.constant 0 : i32
      %dma_start3A_791 = tpu.memref_slice %arg4[%mul3A_784, %dma_start3A_790] : memref<917504x128xf32, #tpu.memory_space<hbm>> -> memref<50x64xf32, #tpu.memory_space<hbm>>
      %dma_start3A_792 = arith.constant 0 : i32
      %dma_start3A_793 = tpu.memref_slice %arg4[%mul3A_784, %dma_start3A_792] : memref<917504x128xf32, #tpu.memory_space<hbm>> -> memref<50x64xf32, #tpu.memory_space<hbm>>
      %dma_start3A_794 = arith.constant 400 : i32
      %dma_start3A_795 = arith.constant 0 : i32
      %dma_start3A_796 = tpu.memref_slice %arg6[%dma_start3A_785, %dma_start3A_794, %dma_start3A_795] : memref<2x800x64xf32, #tpu.memory_space<vmem>> -> memref<1x50x64xf32, #tpu.memory_space<vmem>>
      %dma_start3A_797 = tpu.memref_squeeze %dma_start3A_796 : memref<1x50x64xf32, #tpu.memory_space<vmem>> -> memref<50x64xf32, #tpu.memory_space<vmem>>
      tpu.enqueue_dma source(%dma_start3A_797 : memref<50x64xf32, #tpu.memory_space<vmem>>) target(%dma_start3A_793 : memref<50x64xf32, #tpu.memory_space<hbm>>) target_semaphore(%arg10 : memref<!tpu.dma_semaphore, #tpu.memory_space<semaphore_mem>>)
      %mul3A_798 = arith.constant 16 : i32
      %mul3A_799 = arith.muli %add3A_617, %mul3A_798 : i32
      %add3A_800 = arith.addi %mul3A_2, %mul3A_799 : i32
      %add3A_801 = arith.constant 9 : i32
      %add3A_802 = arith.addi %add3A_800, %add3A_801 : i32
      %mul3A_803 = arith.constant 56 : i32
      %mul3A_804 = arith.muli %add3A_802, %mul3A_803 : i32
      %dma_start3A_805 = arith.constant 1 : i32
      %dma_start3A_806 = arith.constant 450 : i32
      %dma_start3A_807 = arith.constant 0 : i32
      %dma_start3A_808 = tpu.memref_slice %arg6[%dma_start3A_805, %dma_start3A_806, %dma_start3A_807] : memref<2x800x64xf32, #tpu.memory_space<vmem>> -> memref<1x50x64xf32, #tpu.memory_space<vmem>>
      %dma_start3A_809 = tpu.memref_squeeze %dma_start3A_808 : memref<1x50x64xf32, #tpu.memory_space<vmem>> -> memref<50x64xf32, #tpu.memory_space<vmem>>
      %dma_start3A_810 = arith.constant 0 : i32
      %dma_start3A_811 = tpu.memref_slice %arg4[%mul3A_804, %dma_start3A_810] : memref<917504x128xf32, #tpu.memory_space<hbm>> -> memref<50x64xf32, #tpu.memory_space<hbm>>
      %dma_start3A_812 = arith.constant 0 : i32
      %dma_start3A_813 = tpu.memref_slice %arg4[%mul3A_804, %dma_start3A_812] : memref<917504x128xf32, #tpu.memory_space<hbm>> -> memref<50x64xf32, #tpu.memory_space<hbm>>
      %dma_start3A_814 = arith.constant 450 : i32
      %dma_start3A_815 = arith.constant 0 : i32
      %dma_start3A_816 = tpu.memref_slice %arg6[%dma_start3A_805, %dma_start3A_814, %dma_start3A_815] : memref<2x800x64xf32, #tpu.memory_space<vmem>> -> memref<1x50x64xf32, #tpu.memory_space<vmem>>
      %dma_start3A_817 = tpu.memref_squeeze %dma_start3A_816 : memref<1x50x64xf32, #tpu.memory_space<vmem>> -> memref<50x64xf32, #tpu.memory_space<vmem>>
      tpu.enqueue_dma source(%dma_start3A_817 : memref<50x64xf32, #tpu.memory_space<vmem>>) target(%dma_start3A_813 : memref<50x64xf32, #tpu.memory_space<hbm>>) target_semaphore(%arg10 : memref<!tpu.dma_semaphore, #tpu.memory_space<semaphore_mem>>)
      %mul3A_818 = arith.constant 16 : i32
      %mul3A_819 = arith.muli %add3A_617, %mul3A_818 : i32
      %add3A_820 = arith.addi %mul3A_2, %mul3A_819 : i32
      %add3A_821 = arith.constant 10 : i32
      %add3A_822 = arith.addi %add3A_820, %add3A_821 : i32
      %mul3A_823 = arith.constant 56 : i32
      %mul3A_824 = arith.muli %add3A_822, %mul3A_823 : i32
      %dma_start3A_825 = arith.constant 1 : i32
      %dma_start3A_826 = arith.constant 500 : i32
      %dma_start3A_827 = arith.constant 0 : i32
      %dma_start3A_828 = tpu.memref_slice %arg6[%dma_start3A_825, %dma_start3A_826, %dma_start3A_827] : memref<2x800x64xf32, #tpu.memory_space<vmem>> -> memref<1x50x64xf32, #tpu.memory_space<vmem>>
      %dma_start3A_829 = tpu.memref_squeeze %dma_start3A_828 : memref<1x50x64xf32, #tpu.memory_space<vmem>> -> memref<50x64xf32, #tpu.memory_space<vmem>>
      %dma_start3A_830 = arith.constant 0 : i32
      %dma_start3A_831 = tpu.memref_slice %arg4[%mul3A_824, %dma_start3A_830] : memref<917504x128xf32, #tpu.memory_space<hbm>> -> memref<50x64xf32, #tpu.memory_space<hbm>>
      %dma_start3A_832 = arith.constant 0 : i32
      %dma_start3A_833 = tpu.memref_slice %arg4[%mul3A_824, %dma_start3A_832] : memref<917504x128xf32, #tpu.memory_space<hbm>> -> memref<50x64xf32, #tpu.memory_space<hbm>>
      %dma_start3A_834 = arith.constant 500 : i32
      %dma_start3A_835 = arith.constant 0 : i32
      %dma_start3A_836 = tpu.memref_slice %arg6[%dma_start3A_825, %dma_start3A_834, %dma_start3A_835] : memref<2x800x64xf32, #tpu.memory_space<vmem>> -> memref<1x50x64xf32, #tpu.memory_space<vmem>>
      %dma_start3A_837 = tpu.memref_squeeze %dma_start3A_836 : memref<1x50x64xf32, #tpu.memory_space<vmem>> -> memref<50x64xf32, #tpu.memory_space<vmem>>
      tpu.enqueue_dma source(%dma_start3A_837 : memref<50x64xf32, #tpu.memory_space<vmem>>) target(%dma_start3A_833 : memref<50x64xf32, #tpu.memory_space<hbm>>) target_semaphore(%arg10 : memref<!tpu.dma_semaphore, #tpu.memory_space<semaphore_mem>>)
      %mul3A_838 = arith.constant 16 : i32
      %mul3A_839 = arith.muli %add3A_617, %mul3A_838 : i32
      %add3A_840 = arith.addi %mul3A_2, %mul3A_839 : i32
      %add3A_841 = arith.constant 11 : i32
      %add3A_842 = arith.addi %add3A_840, %add3A_841 : i32
      %mul3A_843 = arith.constant 56 : i32
      %mul3A_844 = arith.muli %add3A_842, %mul3A_843 : i32
      %dma_start3A_845 = arith.constant 1 : i32
      %dma_start3A_846 = arith.constant 550 : i32
      %dma_start3A_847 = arith.constant 0 : i32
      %dma_start3A_848 = tpu.memref_slice %arg6[%dma_start3A_845, %dma_start3A_846, %dma_start3A_847] : memref<2x800x64xf32, #tpu.memory_space<vmem>> -> memref<1x50x64xf32, #tpu.memory_space<vmem>>
      %dma_start3A_849 = tpu.memref_squeeze %dma_start3A_848 : memref<1x50x64xf32, #tpu.memory_space<vmem>> -> memref<50x64xf32, #tpu.memory_space<vmem>>
      %dma_start3A_850 = arith.constant 0 : i32
      %dma_start3A_851 = tpu.memref_slice %arg4[%mul3A_844, %dma_start3A_850] : memref<917504x128xf32, #tpu.memory_space<hbm>> -> memref<50x64xf32, #tpu.memory_space<hbm>>
      %dma_start3A_852 = arith.constant 0 : i32
      %dma_start3A_853 = tpu.memref_slice %arg4[%mul3A_844, %dma_start3A_852] : memref<917504x128xf32, #tpu.memory_space<hbm>> -> memref<50x64xf32, #tpu.memory_space<hbm>>
      %dma_start3A_854 = arith.constant 550 : i32
      %dma_start3A_855 = arith.constant 0 : i32
      %dma_start3A_856 = tpu.memref_slice %arg6[%dma_start3A_845, %dma_start3A_854, %dma_start3A_855] : memref<2x800x64xf32, #tpu.memory_space<vmem>> -> memref<1x50x64xf32, #tpu.memory_space<vmem>>
      %dma_start3A_857 = tpu.memref_squeeze %dma_start3A_856 : memref<1x50x64xf32, #tpu.memory_space<vmem>> -> memref<50x64xf32, #tpu.memory_space<vmem>>
      tpu.enqueue_dma source(%dma_start3A_857 : memref<50x64xf32, #tpu.memory_space<vmem>>) target(%dma_start3A_853 : memref<50x64xf32, #tpu.memory_space<hbm>>) target_semaphore(%arg10 : memref<!tpu.dma_semaphore, #tpu.memory_space<semaphore_mem>>)
      %mul3A_858 = arith.constant 16 : i32
      %mul3A_859 = arith.muli %add3A_617, %mul3A_858 : i32
      %add3A_860 = arith.addi %mul3A_2, %mul3A_859 : i32
      %add3A_861 = arith.constant 12 : i32
      %add3A_862 = arith.addi %add3A_860, %add3A_861 : i32
      %mul3A_863 = arith.constant 56 : i32
      %mul3A_864 = arith.muli %add3A_862, %mul3A_863 : i32
      %dma_start3A_865 = arith.constant 1 : i32
      %dma_start3A_866 = arith.constant 600 : i32
      %dma_start3A_867 = arith.constant 0 : i32
      %dma_start3A_868 = tpu.memref_slice %arg6[%dma_start3A_865, %dma_start3A_866, %dma_start3A_867] : memref<2x800x64xf32, #tpu.memory_space<vmem>> -> memref<1x50x64xf32, #tpu.memory_space<vmem>>
      %dma_start3A_869 = tpu.memref_squeeze %dma_start3A_868 : memref<1x50x64xf32, #tpu.memory_space<vmem>> -> memref<50x64xf32, #tpu.memory_space<vmem>>
      %dma_start3A_870 = arith.constant 0 : i32
      %dma_start3A_871 = tpu.memref_slice %arg4[%mul3A_864, %dma_start3A_870] : memref<917504x128xf32, #tpu.memory_space<hbm>> -> memref<50x64xf32, #tpu.memory_space<hbm>>
      %dma_start3A_872 = arith.constant 0 : i32
      %dma_start3A_873 = tpu.memref_slice %arg4[%mul3A_864, %dma_start3A_872] : memref<917504x128xf32, #tpu.memory_space<hbm>> -> memref<50x64xf32, #tpu.memory_space<hbm>>
      %dma_start3A_874 = arith.constant 600 : i32
      %dma_start3A_875 = arith.constant 0 : i32
      %dma_start3A_876 = tpu.memref_slice %arg6[%dma_start3A_865, %dma_start3A_874, %dma_start3A_875] : memref<2x800x64xf32, #tpu.memory_space<vmem>> -> memref<1x50x64xf32, #tpu.memory_space<vmem>>
      %dma_start3A_877 = tpu.memref_squeeze %dma_start3A_876 : memref<1x50x64xf32, #tpu.memory_space<vmem>> -> memref<50x64xf32, #tpu.memory_space<vmem>>
      tpu.enqueue_dma source(%dma_start3A_877 : memref<50x64xf32, #tpu.memory_space<vmem>>) target(%dma_start3A_873 : memref<50x64xf32, #tpu.memory_space<hbm>>) target_semaphore(%arg10 : memref<!tpu.dma_semaphore, #tpu.memory_space<semaphore_mem>>)
      %mul3A_878 = arith.constant 16 : i32
      %mul3A_879 = arith.muli %add3A_617, %mul3A_878 : i32
      %add3A_880 = arith.addi %mul3A_2, %mul3A_879 : i32
      %add3A_881 = arith.constant 13 : i32
      %add3A_882 = arith.addi %add3A_880, %add3A_881 : i32
      %mul3A_883 = arith.constant 56 : i32
      %mul3A_884 = arith.muli %add3A_882, %mul3A_883 : i32
      %dma_start3A_885 = arith.constant 1 : i32
      %dma_start3A_886 = arith.constant 650 : i32
      %dma_start3A_887 = arith.constant 0 : i32
      %dma_start3A_888 = tpu.memref_slice %arg6[%dma_start3A_885, %dma_start3A_886, %dma_start3A_887] : memref<2x800x64xf32, #tpu.memory_space<vmem>> -> memref<1x50x64xf32, #tpu.memory_space<vmem>>
      %dma_start3A_889 = tpu.memref_squeeze %dma_start3A_888 : memref<1x50x64xf32, #tpu.memory_space<vmem>> -> memref<50x64xf32, #tpu.memory_space<vmem>>
      %dma_start3A_890 = arith.constant 0 : i32
      %dma_start3A_891 = tpu.memref_slice %arg4[%mul3A_884, %dma_start3A_890] : memref<917504x128xf32, #tpu.memory_space<hbm>> -> memref<50x64xf32, #tpu.memory_space<hbm>>
      %dma_start3A_892 = arith.constant 0 : i32
      %dma_start3A_893 = tpu.memref_slice %arg4[%mul3A_884, %dma_start3A_892] : memref<917504x128xf32, #tpu.memory_space<hbm>> -> memref<50x64xf32, #tpu.memory_space<hbm>>
      %dma_start3A_894 = arith.constant 650 : i32
      %dma_start3A_895 = arith.constant 0 : i32
      %dma_start3A_896 = tpu.memref_slice %arg6[%dma_start3A_885, %dma_start3A_894, %dma_start3A_895] : memref<2x800x64xf32, #tpu.memory_space<vmem>> -> memref<1x50x64xf32, #tpu.memory_space<vmem>>
      %dma_start3A_897 = tpu.memref_squeeze %dma_start3A_896 : memref<1x50x64xf32, #tpu.memory_space<vmem>> -> memref<50x64xf32, #tpu.memory_space<vmem>>
      tpu.enqueue_dma source(%dma_start3A_897 : memref<50x64xf32, #tpu.memory_space<vmem>>) target(%dma_start3A_893 : memref<50x64xf32, #tpu.memory_space<hbm>>) target_semaphore(%arg10 : memref<!tpu.dma_semaphore, #tpu.memory_space<semaphore_mem>>)
      %mul3A_898 = arith.constant 16 : i32
      %mul3A_899 = arith.muli %add3A_617, %mul3A_898 : i32
      %add3A_900 = arith.addi %mul3A_2, %mul3A_899 : i32
      %add3A_901 = arith.constant 14 : i32
      %add3A_902 = arith.addi %add3A_900, %add3A_901 : i32
      %mul3A_903 = arith.constant 56 : i32
      %mul3A_904 = arith.muli %add3A_902, %mul3A_903 : i32
      %dma_start3A_905 = arith.constant 1 : i32
      %dma_start3A_906 = arith.constant 700 : i32
      %dma_start3A_907 = arith.constant 0 : i32
      %dma_start3A_908 = tpu.memref_slice %arg6[%dma_start3A_905, %dma_start3A_906, %dma_start3A_907] : memref<2x800x64xf32, #tpu.memory_space<vmem>> -> memref<1x50x64xf32, #tpu.memory_space<vmem>>
      %dma_start3A_909 = tpu.memref_squeeze %dma_start3A_908 : memref<1x50x64xf32, #tpu.memory_space<vmem>> -> memref<50x64xf32, #tpu.memory_space<vmem>>
      %dma_start3A_910 = arith.constant 0 : i32
      %dma_start3A_911 = tpu.memref_slice %arg4[%mul3A_904, %dma_start3A_910] : memref<917504x128xf32, #tpu.memory_space<hbm>> -> memref<50x64xf32, #tpu.memory_space<hbm>>
      %dma_start3A_912 = arith.constant 0 : i32
      %dma_start3A_913 = tpu.memref_slice %arg4[%mul3A_904, %dma_start3A_912] : memref<917504x128xf32, #tpu.memory_space<hbm>> -> memref<50x64xf32, #tpu.memory_space<hbm>>
      %dma_start3A_914 = arith.constant 700 : i32
      %dma_start3A_915 = arith.constant 0 : i32
      %dma_start3A_916 = tpu.memref_slice %arg6[%dma_start3A_905, %dma_start3A_914, %dma_start3A_915] : memref<2x800x64xf32, #tpu.memory_space<vmem>> -> memref<1x50x64xf32, #tpu.memory_space<vmem>>
      %dma_start3A_917 = tpu.memref_squeeze %dma_start3A_916 : memref<1x50x64xf32, #tpu.memory_space<vmem>> -> memref<50x64xf32, #tpu.memory_space<vmem>>
      tpu.enqueue_dma source(%dma_start3A_917 : memref<50x64xf32, #tpu.memory_space<vmem>>) target(%dma_start3A_913 : memref<50x64xf32, #tpu.memory_space<hbm>>) target_semaphore(%arg10 : memref<!tpu.dma_semaphore, #tpu.memory_space<semaphore_mem>>)
      %mul3A_918 = arith.constant 16 : i32
      %mul3A_919 = arith.muli %add3A_617, %mul3A_918 : i32
      %add3A_920 = arith.addi %mul3A_2, %mul3A_919 : i32
      %add3A_921 = arith.constant 15 : i32
      %add3A_922 = arith.addi %add3A_920, %add3A_921 : i32
      %mul3A_923 = arith.constant 56 : i32
      %mul3A_924 = arith.muli %add3A_922, %mul3A_923 : i32
      %dma_start3A_925 = arith.constant 1 : i32
      %dma_start3A_926 = arith.constant 750 : i32
      %dma_start3A_927 = arith.constant 0 : i32
      %dma_start3A_928 = tpu.memref_slice %arg6[%dma_start3A_925, %dma_start3A_926, %dma_start3A_927] : memref<2x800x64xf32, #tpu.memory_space<vmem>> -> memref<1x50x64xf32, #tpu.memory_space<vmem>>
      %dma_start3A_929 = tpu.memref_squeeze %dma_start3A_928 : memref<1x50x64xf32, #tpu.memory_space<vmem>> -> memref<50x64xf32, #tpu.memory_space<vmem>>
      %dma_start3A_930 = arith.constant 0 : i32
      %dma_start3A_931 = tpu.memref_slice %arg4[%mul3A_924, %dma_start3A_930] : memref<917504x128xf32, #tpu.memory_space<hbm>> -> memref<50x64xf32, #tpu.memory_space<hbm>>
      %dma_start3A_932 = arith.constant 0 : i32
      %dma_start3A_933 = tpu.memref_slice %arg4[%mul3A_924, %dma_start3A_932] : memref<917504x128xf32, #tpu.memory_space<hbm>> -> memref<50x64xf32, #tpu.memory_space<hbm>>
      %dma_start3A_934 = arith.constant 750 : i32
      %dma_start3A_935 = arith.constant 0 : i32
      %dma_start3A_936 = tpu.memref_slice %arg6[%dma_start3A_925, %dma_start3A_934, %dma_start3A_935] : memref<2x800x64xf32, #tpu.memory_space<vmem>> -> memref<1x50x64xf32, #tpu.memory_space<vmem>>
      %dma_start3A_937 = tpu.memref_squeeze %dma_start3A_936 : memref<1x50x64xf32, #tpu.memory_space<vmem>> -> memref<50x64xf32, #tpu.memory_space<vmem>>
      tpu.enqueue_dma source(%dma_start3A_937 : memref<50x64xf32, #tpu.memory_space<vmem>>) target(%dma_start3A_933 : memref<50x64xf32, #tpu.memory_space<hbm>>) target_semaphore(%arg10 : memref<!tpu.dma_semaphore, #tpu.memory_space<semaphore_mem>>)
    }
    %scan3A_101 = arith.constant 16 : i32
    %dma_wait3A = arith.constant 0 : i32
    %dma_wait3A_102 = arith.constant 0 : i32
    %dma_wait3A_103 = arith.constant 0 : i32
    %dma_wait3A_104 = tpu.memref_slice %arg6[%dma_wait3A, %dma_wait3A_102, %dma_wait3A_103] : memref<2x800x64xf32, #tpu.memory_space<vmem>> -> memref<1x800x64xf32, #tpu.memory_space<vmem>>
    %dma_wait3A_105 = tpu.memref_squeeze %dma_wait3A_104 : memref<1x800x64xf32, #tpu.memory_space<vmem>> -> memref<800x64xf32, #tpu.memory_space<vmem>>
    %dma_wait3A_106 = arith.constant 0 : i32
    %dma_wait3A_107 = arith.constant 0 : i32
    %dma_wait3A_108 = tpu.memref_slice %arg4[%dma_wait3A_106, %dma_wait3A_107] : memref<917504x128xf32, #tpu.memory_space<hbm>> -> memref<800x64xf32, #tpu.memory_space<hbm>>
    %dma_wait3A_109 = arith.constant 0 : i32
    %dma_wait3A_110 = arith.constant 0 : i32
    %dma_wait3A_111 = tpu.memref_slice %arg4[%dma_wait3A_109, %dma_wait3A_110] : memref<917504x128xf32, #tpu.memory_space<hbm>> -> memref<800x64xf32, #tpu.memory_space<hbm>>
    %dma_wait3A_112 = arith.constant 0 : i32
    %dma_wait3A_113 = arith.constant 0 : i32
    %dma_wait3A_114 = tpu.memref_slice %arg6[%dma_wait3A, %dma_wait3A_112, %dma_wait3A_113] : memref<2x800x64xf32, #tpu.memory_space<vmem>> -> memref<1x800x64xf32, #tpu.memory_space<vmem>>
    %dma_wait3A_115 = tpu.memref_squeeze %dma_wait3A_114 : memref<1x800x64xf32, #tpu.memory_space<vmem>> -> memref<800x64xf32, #tpu.memory_space<vmem>>
    tpu.wait_dma2 semaphore(%arg9 : memref<!tpu.dma_semaphore, #tpu.memory_space<semaphore_mem>>) src(%dma_wait3A_115 : memref<800x64xf32, #tpu.memory_space<vmem>>) dst(%dma_wait3A_111 : memref<800x64xf32, #tpu.memory_space<hbm>>)
    %dma_wait3A_116 = arith.constant 1 : i32
    %dma_wait3A_117 = arith.constant 0 : i32
    %dma_wait3A_118 = arith.constant 0 : i32
    %dma_wait3A_119 = tpu.memref_slice %arg6[%dma_wait3A_116, %dma_wait3A_117, %dma_wait3A_118] : memref<2x800x64xf32, #tpu.memory_space<vmem>> -> memref<1x800x64xf32, #tpu.memory_space<vmem>>
    %dma_wait3A_120 = tpu.memref_squeeze %dma_wait3A_119 : memref<1x800x64xf32, #tpu.memory_space<vmem>> -> memref<800x64xf32, #tpu.memory_space<vmem>>
    %dma_wait3A_121 = arith.constant 0 : i32
    %dma_wait3A_122 = arith.constant 0 : i32
    %dma_wait3A_123 = tpu.memref_slice %arg4[%dma_wait3A_121, %dma_wait3A_122] : memref<917504x128xf32, #tpu.memory_space<hbm>> -> memref<800x64xf32, #tpu.memory_space<hbm>>
    %dma_wait3A_124 = arith.constant 0 : i32
    %dma_wait3A_125 = arith.constant 0 : i32
    %dma_wait3A_126 = tpu.memref_slice %arg4[%dma_wait3A_124, %dma_wait3A_125] : memref<917504x128xf32, #tpu.memory_space<hbm>> -> memref<800x64xf32, #tpu.memory_space<hbm>>
    %dma_wait3A_127 = arith.constant 0 : i32
    %dma_wait3A_128 = arith.constant 0 : i32
    %dma_wait3A_129 = tpu.memref_slice %arg6[%dma_wait3A_116, %dma_wait3A_127, %dma_wait3A_128] : memref<2x800x64xf32, #tpu.memory_space<vmem>> -> memref<1x800x64xf32, #tpu.memory_space<vmem>>
    %dma_wait3A_130 = tpu.memref_squeeze %dma_wait3A_129 : memref<1x800x64xf32, #tpu.memory_space<vmem>> -> memref<800x64xf32, #tpu.memory_space<vmem>>
    tpu.wait_dma2 semaphore(%arg10 : memref<!tpu.dma_semaphore, #tpu.memory_space<semaphore_mem>>) src(%dma_wait3A_130 : memref<800x64xf32, #tpu.memory_space<vmem>>) dst(%dma_wait3A_126 : memref<800x64xf32, #tpu.memory_space<hbm>>)
    return
  }
}

</mosaic_0001>

<sc_bundles>
// kernel: _sc_gather.3.cloned.1.call-start
scs
__scs_entry_jumppad:
0x0: {  	(pc) =	sbr.rel $0x88, $3  }
0x1: {  	(tag) =	ssettag $0x0;
	lr =	simm.s32 $0x1  }
0x2: {  	[smem:$0x3F9F] =	sst lr;
	_ =	strace $0xD0000000  }
0x3: {  	_ = 	snop  }
0x4: {  	_ = 	snop  }
0x5: {  	_ = 	snop  }
0x6: {  	_ = 	snop  }
0x7: {  	_ = 	snop  }
__scs_overlays_trampoline_lowered:
0x8: {  	[smem:$0x3FAE] =	sst s0  }
0x9: {  	[smem:$0x3FAF] =	sst s1  }
0xa: {  	[smem:$0x3FB0] =	sst s2  }
0xb: {  	[smem:$0x3FB1] =	sst s3  }
0xc: {  	[smem:$0x3FB2] =	sst s4  }
0xd: {  	[smem:$0x3FB3] =	sst s5  }
0xe: {  	[smem:$0x3FB4] =	sst s6  }
0xf: {  	[smem:$0x3FB5] =	sst s7  }
0x10: {  	[smem:$0x3FB6] =	sst s8  }
0x11: {  	[smem:$0x3FB7] =	sst s9;
	s0 =	simm.s32 @!p0 $0x0  }
0x12: {  	s1 =	sld [smem:$0x3F9D];
	s0 =	simm.s32 @p0 $0x1  }
0x13: {  	[smem:$0x3FB8] =	sst s0;
	s0 =	simm.s32 @!p1 $0x0  }
0x14: {  	s2 =	sld [smem:$0x3F9C];
	s0 =	simm.s32 @p1 $0x1  }
0x15: {  	[smem:$0x3FB9] =	sst s0;
	s0 =	simm.s32 @!p2 $0x0  }
0x16: {  	s3 =	sld [smem:$0x3FDB];
	s0 =	simm.s32 @p2 $0x1  }
0x17: {  	s4 =	simm.s32 $0x1BF5;
	[smem:$0x3FBB] =	sst s0  }
0x18: {  	s0 =	sld [smem:$0x3F9E];
	_ =	swait.ge [sflag:s4], $0x0  }
0x19: {  	s7 =	sld [smem:$0x3F9F]  }
0x1a: {  	s8 =	sadd.s32 $0xFFFFE003, lr  }
0x1b: {  	s9 =	sadd.s32 $0xFFFFFEF7, lr;
	s5 =	simm.s32 $0xFFFFFFFF;
	p2 =	slt.u32 s8, $0xFFFFF086  }
0x1c: {  	p1 =	slt.u32 s9, $0xF7A;
	s5 =	simm.s32 @!p2 $0x0  }
0x1d: {  	s5 =	simm.s32 @p1 $0x1;
	p0 =	seq.s32 s7, s2  }
0x1e: {  	s7 =	smul.u32 @!p0 $0xF7A, s2;
	p2 =	seq.s32 @!p0 s5, $0x0  }
0x1f: {  	s9 =	smul.u32 $0xF7A, s1;
	s8 =	simm.s32 @!p0 $0x1BF5;
	p2 =	por !p2, p0  }
0x20: {  	[sflag:s8] =	ssyncset.s32 @!p0 $0xFFFFF086;
	s6 =	sadd.s32 @!p0 s3, s7;
	s7 =	simm.s32 @!p0 $0x108  }
0x21: {  	s3 =	sadd.s32 s3, s9;
	s6 =	sadd.s32 @!p0 $0x88, s6;
	s7 =	simm.s32 @p2 $0x1082  }
0x22: {  	[simem:s7], [sflag:s8] =	dma.local @!p0 [hbm:s6], $0xF7A  }
0x23: {  	s9 =	sor.u32 $0xD0000000, s2;
	s6 =	simm.s32 $0x108;
	_ =	swait.ge @!p0 [sflag:s8], $0x0  }
0x24: {  	s3 =	sadd.s32 $0x88, s3;
	s6 =	simm.s32 @!p1 $0x1082;
	[sflag:s4] =	ssyncset.s32 $0xFFFFF086  }
0x25: {  	[simem:s6], [sflag:s4] =	dma.local [hbm:s3], $0xF7A  }
0x26: {  	[smem:$0x3F9F] =	sst s1;
	(tag) =	ssettag s2;
	_ =	strace s9  }
0x27: {  	s1 =	sld [smem:$0x3FAF]  }
0x28: {  	s2 =	sld [smem:$0x3FB0]  }
0x29: {  	s4 =	sld [smem:$0x3FB2]  }
0x2a: {  	p0 =	seq.s32 s5, $0x0;
	s5 =	sld [smem:$0x3FB3]  }
0x2b: {  	s6 =	sld [smem:$0x3FB4]  }
0x2c: {  	s7 =	sld [smem:$0x3FB5]  }
0x2d: {  	s3 =	simm.s32 $0x108;
	s8 =	sld [smem:$0x3FB6]  }
0x2e: {  	s3 =	simm.s32 @!p0 $0x1082;
	s9 =	sld [smem:$0x3FB7]  }
0x2f: {  	lr =	sadd.s32 s0, s3;
	s0 =	sld [smem:$0x3FAE]  }
0x30: {  	s3 =	sld [smem:$0x3FB1]  }
0x31: {  	[smem:$0x3FBA] =	sst s10  }
0x32: {  	s10 =	sld [smem:$0x3FB8];
	_ =	sdelay $0x3  }
0x33: {  	p0 =	seq.s32 s10, $0x1;
	s10 =	sld [smem:$0x3FBA];
	_ =	sdelay $0x3  }
0x34: {  	[smem:$0x3FBA] =	sst s10  }
0x35: {  	s10 =	sld [smem:$0x3FB9];
	_ =	sdelay $0x3  }
0x36: {  	p1 =	seq.s32 s10, $0x1;
	s10 =	sld [smem:$0x3FBA];
	_ =	sdelay $0x3  }
0x37: {  	[smem:$0x3FBA] =	sst s10  }
0x38: {  	s10 =	sld [smem:$0x3FBB]  }
0x39: {  	_ = 	snop;
	(pc) =	sbr.ind lr, $3  }
0x3a: {  	_ = 	snop  }
0x3b: {  	_ = 	snop  }
0x3c: {  	p2 =	seq.s32 s10, $0x1;
	s10 =	sld [smem:$0x3FBA]  }
0x3d: {  	_ =	shalt  }
0x3e: {  	_ =	shalt  }
0x3f: {  	_ =	shalt  }
0x40: {  	_ =	shalt  }
0x41: {  	_ =	shalt  }
0x42: {  	_ =	shalt  }
0x43: {  	_ =	shalt  }
0x44: {  	_ =	shalt  }
0x45: {  	_ =	shalt  }
0x46: {  	_ =	shalt  }
0x47: {  	_ =	shalt  }
0x48: {  	_ =	shalt  }
0x49: {  	_ =	shalt  }
0x4a: {  	_ =	shalt  }
0x4b: {  	_ =	shalt  }
0x4c: {  	_ =	shalt  }
0x4d: {  	_ =	shalt  }
0x4e: {  	_ =	shalt  }
0x4f: {  	_ =	shalt  }
0x50: {  	_ =	shalt  }
0x51: {  	_ =	shalt  }
0x52: {  	_ =	shalt  }
0x53: {  	_ =	shalt  }
0x54: {  	_ =	shalt  }
0x55: {  	_ =	shalt  }
0x56: {  	_ =	shalt  }
0x57: {  	_ =	shalt  }
0x58: {  	_ =	shalt  }
0x59: {  	_ =	shalt  }
0x5a: {  	_ =	shalt  }
0x5b: {  	_ =	shalt  }
0x5c: {  	_ =	shalt  }
0x5d: {  	_ =	shalt  }
0x5e: {  	_ =	shalt  }
0x5f: {  	_ =	shalt  }
0x60: {  	_ =	shalt  }
0x61: {  	_ =	shalt  }
0x62: {  	_ =	shalt  }
0x63: {  	_ =	shalt  }
0x64: {  	_ =	shalt  }
0x65: {  	_ =	shalt  }
0x66: {  	_ =	shalt  }
0x67: {  	_ =	shalt  }
0x68: {  	_ =	shalt  }
0x69: {  	_ =	shalt  }
0x6a: {  	_ =	shalt  }
0x6b: {  	_ =	shalt  }
0x6c: {  	_ =	shalt  }
0x6d: {  	_ =	shalt  }
0x6e: {  	_ =	shalt  }
0x6f: {  	_ =	shalt  }
0x70: {  	_ =	shalt  }
0x71: {  	_ =	shalt  }
0x72: {  	_ =	shalt  }
0x73: {  	_ =	shalt  }
0x74: {  	_ =	shalt  }
0x75: {  	_ =	shalt  }
0x76: {  	_ =	shalt  }
0x77: {  	_ =	shalt  }
0x78: {  	_ =	shalt  }
0x79: {  	_ =	shalt  }
0x7a: {  	_ =	shalt  }
0x7b: {  	_ =	shalt  }
0x7c: {  	_ =	shalt  }
0x7d: {  	_ =	shalt  }
0x7e: {  	_ =	shalt  }
0x7f: {  	_ =	shalt  }
0x80: {  	_ =	shalt  }
0x81: {  	_ =	shalt  }
0x82: {  	_ =	shalt  }
0x83: {  	_ =	shalt  }
0x84: {  	_ =	shalt  }
0x85: {  	_ =	shalt  }
0x86: {  	_ =	shalt  }
0x87: {  	_ =	shalt  }
.Lfunc_end0:
.L_simem_size_0:
called_computation_lowered:
.L_overlay_start_0:
0x88: {  	s2 =	sld [smem:$0x3FD9]  }
0x89: {  	s3 =	sld [smem:$0x3FFE];
	_ =	sdelay $0x1  }
0x8a: {  	s1 =	srdreg.scid  }
0x8b: {  	s0 =	sand.u32 $0x1, s1  }
0x8c: {  	s17 =	sshll.u32 s0, $0xA;
	s2 =	sadd.s32 s3, s2  }
0x8d: {  	s2 =	sadd.s32 s2, s17  }
0x8e: {  	[smem:$0x3FC6] =	sst s2  }
0x8f: {  	_ = 	snop  }
0x90: {  	s2 =	sld [smem:$0x3FD0];
	(tm) =	ssettm $0x1  }
0x91: {  	s18 =	sld [smem:$0x3FFB];
	_ =	sdelay $0x3  }
0x92: {  	_ =	strace s18  }
0x93: {  	s3 =	sld [smem:$0x3FFC];
	_ =	sdelay $0x3  }
0x94: {  	_ =	strace s3  }
0x95: {  	s3 =	sld [smem:$0x3FFD];
	_ =	sdelay $0x3  }
0x96: {  	_ =	strace s3  }
0x97: {  	_ =	strace $0x8FFFFFFF  }
0x98: {  	s19 =	sld [smem:$0x3FDB];
	_ =	sdelay $0x1  }
0x99: {  	s4 =	simm.s32 $_scs_section_size  }
0x9a: {  	s5 =	simm.s32 $_size__tile_overlayer_lowered;
	s6 =	simm.s32 $_tile_overlayer_lowered  }
0x9b: {  	s22 =	simm.s32 $0x1BFF;
	s21 =	sshll.u32 s6, $0x1;
	s3 =	sadd.s32 s4, s19  }
0x9c: {  	s7 =	simm.s32 $0x0;
	s20 =	sshll.u32 s5, $0x1;
	s5 =	sadd.s32 s21, s3  }
0x9d: {  	[timem:s7], [sflag:s22] =	dma.local [hbm:s5], s20  }
0x9e: {  	_ =	swait.ge [sflag:s22], s20  }
0x9f: {  	s4 =	ssub.s32 $0x0, s20;
	[sflag:s22] =	ssyncset.done $0x0  }
0xa0: {  	[sflag:s22] =	ssyncadd.s32 s4;
	_ =	sdelay $0x1  }
0xa1: {  	s23 =	simm.s32 $0x1B8B  }
0xa2: {  	_ =	swait.ge [sflag:s23], $0x1  }
0xa3: {  	[sflag:s23] =	ssyncset.done $0x0  }
0xa4: {  	s25 =	simm.s32 $0x1B8E;
	s24 =	sld [smem:$0x3FFE];
	[sflag:s23] =	ssyncadd.s32 $0xFFFFFFFF  }
0xa5: {  	s26 =	simm.s32 $execute0_lowered;
	[smem:$0x3FD2] =	sst s25  }
0xa6: {  	s5 =	sshll.u32 s26, $0x1;
	_ =	strace $0x80000046;
	[dreg:$0x1] =	wrdreg $0xFFFFFFFF  }
0xa7: {  	s28 =	simm.s32 $_size_execute0_lowered;
	s3 =	sadd.s32 s3, s5;
	[dreg:$0x0] =	wrdreg $0x0  }
0xa8: {  	s5 =	sshll.u32 s28, $0x1;
	[dreg:$0x2] =	wrdreg s3  }
0xa9: {  	[dreg:$0x3] =	wrdreg s5  }
0xaa: {  	[dreg:$0x4] =	wrdreg $0xC0  }
0xab: {  	_ =	task [dreg:s7], $0x5FFFF  }
0xac: {  	[dreg:$0x1] =	wrdreg $0xFFFFFFFF  }
0xad: {  	[dreg:$0x0] =	wrdreg $0x60  }
0xae: {  	[dreg:$0x2] =	wrdreg s24  }
0xaf: {  	[dreg:$0x3] =	wrdreg s2  }
0xb0: {  	[dreg:$0x4] =	wrdreg $0x9  }
0xb1: {  	_ =	task.clear_ibuf [dreg:s7], $0x5FFFF;
	_ =	strace $0x90000046  }
0xb2: {  	s29 =	simm.s32 $0x9;
	_ =	strace $0x80000048  }
0xb3: {  	_ =	swait.ge [sflag:s29], $0x1  }
0xb4: {  	[sflag:s29] =	ssyncadd.s32 $0xFFFFFFFF  }
0xb5: {  	_ =	strace $0x90000048  }
0xb6: {  	_ =	sfence  }
0xb7: {  	s30 =	sld [smem:$0x0];
	_ =	sdelay $0x2  }
0xb8: {  	s31 =	sshll.u32 s1, $0xD;
	s1 =	sshrl.u32 s1, $0x2  }
0xb9: {  	s3 =	sand.u32 $0x4000, s31;
	s1 =	sadd.s32 s1, s30  }
0xba: {  	s0 =	sor.u32 s3, s0;
	s1 =	sshll.u32 s1, $0x11  }
0xbb: {  	s0 =	sor.u32 s1, s0  }
0xbc: {  	s0 =	sadd.s32 $0x8F2B, s0  }
0xbd: {  	[sflag:s0] =	ssyncadd.remote.s32 $0x1  }
0xbe: {  	_ =	sfence.sel $0xFFFF  }
0xbf: {  	[dreg:$0x0] =	wrdreg $0xFFFFFFFF;
	(pc) =	sbr.abs _section_cstart, $3  }
0xc0: {  	[dreg:$0x1] =	wrdreg $0xFFFFFFFF  }
0xc1: {  	_ =	task.clear_ibuf [dreg:s7], $0x2FFFF;
	_ =	strace $0x9FFFFFFF  }
0xc2: {  	(tm) =	ssettm $0x7FFFFFFF  }
0xc3: {  	_ =	shalt  }
tec
execute0_lowered:
.L_overlay_start_1:
0x0: {  	(tag) =	ssettag $0x1  }
0x1: {  	s0 =	srdreg.scid  }
0x2: {  	s10 =	stileid.u32;
	s3 =	rddreg [dreg:$0x0];
	s6 =	simm.s32 $0x0  }
0x3: {  	s28 =	simm.s32 $0x19400;
	s29 =	simm.s32 $0x1AD00;
	s30 =	simm.s32 $0x1C600  }
0x4: {  	s5 =	sand.u32 $0x1, s0;
	s11 =	sshll.u32 s10, $0x1;
	s2 =	smul.u32 $0x700000, s10  }
0x5: {  	[smem:$0x7FF] =	sst s6;
	s0 =	sor.u32 s5, s11;
	s4 =	smul.u32 $0x380000, s5  }
0x6: {  	s31 =	simm.s32 $0x1DF00;
	s1 =	smul.u32 $0xD00, s0;
	s0 =	rddreg [dreg:$0x1]  }
0x7: {  	_ =	strace $0x80000047;
	s2 =	sadd.s32 s4, s2;
	s4 =	ssub.s32 $0x2, s5  }
0x8: {  	s5 =	smul.u32 $0x70000, s5;
	s1 =	sadd.s32 s1, s3;
	s3 =	sadd.s32 $0xF42A00, s3  }
0x9: {  	s12 =	sor.u32 $0x1A400, s2;
	s7 =	sshrl.u32 s4, $0x1;
	s8 =	sor.u32 $0x18800, s2  }
0xa: {  	s9 =	sor.u32 $0x16C00, s2;
	s16 =	sor.u32 $0x15000, s2;
	s18 =	sor.u32 $0x13400, s2  }
0xb: {  	s19 =	sor.u32 $0x11800, s2;
	s23 =	sor.u32 $0xFC00, s2;
	s25 =	sor.u32 $0xE000, s2  }
0xc: {  	s26 =	sor.u32 $0xC400, s2;
	s6 =	sshrl.u32 s12, $0x3;
	s8 =	sshrl.u32 s8, $0x3  }
0xd: {  	s14 =	sshrl.u32 s9, $0x3;
	s17 =	sshrl.u32 s16, $0x3;
	s21 =	sshrl.u32 s19, $0x3  }
0xe: {  	s24 =	sshrl.u32 s23, $0x3;
	s12 =	sshrl.u32 s26, $0x3;
	s4 =	ssub.s32 s4, s7  }
0xf: {  	s16 =	sor.u32 $0x8C00, s2;
	s23 =	sor.u32 $0x34800, s2;
	s26 =	sor.u32 $0x31000, s2  }
0x10: {  	s9 =	sor.u32 $0x2F400, s2;
	s1 =	sadd.s32 $0x600, s1;
	s6 =	sadd.s32 s6, s0  }
0x11: {  	s13 =	sadd.s32 s8, s0;
	s15 =	sadd.s32 s14, s0;
	s8 =	sshrl.u32 s18, $0x3  }
0x12: {  	s22 =	sadd.s32 s21, s0;
	s14 =	sor.u32 $0xA800, s2;
	[smem:$0x7F0] =	sst s1  }
0x13: {  	s18 =	sshrl.u32 s16, $0x3;
	s7 =	sshrl.u32 s26, $0x3;
	[dreg:$0x3] =	wrdreg s6  }
0x14: {  	s16 =	sor.u32 $0x2A000, s2;
	s1 =	simm.s32 $0x1;
	[dreg:$0x4] =	wrdreg s13  }
0x15: {  	[dreg:$0x5] =	wrdreg s15;
	s6 =	sadd.s32 s17, s0;
	s20 =	sadd.s32 s8, s0  }
0x16: {  	[dreg:$0x8] =	wrdreg s22;
	s8 =	sshrl.u32 s25, $0x3;
	s13 =	sadd.s32 s12, s0  }
0x17: {  	s15 =	sshrl.u32 s14, $0x3;
	s17 =	smul.u32 $0xE0000, s10;
	[dreg:$0x6] =	wrdreg s6  }
0x18: {  	s25 =	sor.u32 $0x32C00, s2;
	s10 =	sshrl.u32 s9, $0x3;
	[dreg:$0x7] =	wrdreg s20  }
0x19: {  	s12 =	sor.u32 $0x2BC00, s2;
	s9 =	simm.s32 $0xD880;
	[dreg:$0xb] =	wrdreg s13  }
0x1a: {  	s6 =	sadd.s32 s24, s0;
	s11 =	sadd.s32 s8, s0;
	[smem:$0x7F2] =	sst s9  }
0x1b: {  	s20 =	sor.u32 $0x36400, s2;
	s24 =	sshrl.u32 s23, $0x3;
	[dreg:$0x9] =	wrdreg s6  }
0x1c: {  	s8 =	sadd.s32 s7, s0;
	s14 =	sshrl.u32 s12, $0x3;
	[dreg:$0xa] =	wrdreg s11  }
0x1d: {  	s23 =	sor.u32 $0x24C00, s2;
	s6 =	sadd.s32 s15, s0;
	[dreg:$0x12] =	wrdreg s8  }
0x1e: {  	s7 =	simm.s32 $0x64;
	s15 =	sadd.s32 s14, s0;
	[dreg:$0xc] =	wrdreg s6  }
0x1f: {  	s12 =	simm.s32 $0x6800;
	s8 =	simm.s32 $0xBF80;
	[dreg:$0x15] =	wrdreg s15  }
0x20: {  	s19 =	sadd.s32 s17, s0;
	s6 =	sadd.s32 s18, s0;
	[dreg:$0x1f] =	wrdreg s8  }
0x21: {  	s21 =	sshrl.u32 s20, $0x3;
	s5 =	sadd.s32 s5, s19;
	[dreg:$0xd] =	wrdreg s6  }
0x22: {  	s9 =	simm.s32 $0x80;
	s22 =	sadd.s32 s21, s0;
	[dreg:$0xe] =	wrdreg s5  }
0x23: {  	s11 =	sor.u32 $0x2D800, s2;
	s15 =	simm.s32 $0x13C80;
	[dreg:$0xf] =	wrdreg s22  }
0x24: {  	s5 =	sadd.s32 s24, s0;
	s6 =	sshrl.u32 s25, $0x3;
	[smem:$0x7F6] =	sst s15  }
0x25: {  	s24 =	sshrl.u32 s23, $0x3;
	s23 =	simm.s32 $0x1A080;
	[dreg:$0x10] =	wrdreg s5  }
0x26: {  	s19 =	sor.u32 $0x26800, s2;
	s6 =	sadd.s32 s6, s0;
	[smem:$0x7FA] =	sst s23  }
0x27: {  	s21 =	sshrl.u32 s19, $0x3;
	s5 =	sadd.s32 s10, s0;
	[dreg:$0x11] =	wrdreg s6  }
0x28: {  	s17 =	sshrl.u32 s16, $0x3;
	s22 =	sadd.s32 s21, s0;
	[dreg:$0x13] =	wrdreg s5  }
0x29: {  	s14 =	simm.s32 $0x8100;
	s10 =	simm.s32 $0xF180;
	[dreg:$0x18] =	wrdreg s22  }
0x2a: {  	s16 =	simm.s32 $0x9A00;
	s21 =	simm.s32 $0x16E80;
	[smem:$0x7F3] =	sst s10  }
0x2b: {  	s18 =	sor.u32 $0x28400, s2;
	s5 =	sadd.s32 s17, s0;
	[smem:$0x7F8] =	sst s21  }
0x2c: {  	s6 =	sshrl.u32 s11, $0x3;
	s11 =	simm.s32 $0x10A80;
	[dreg:$0x16] =	wrdreg s5  }
0x2d: {  	s25 =	sor.u32 $0x23000, s2;
	s17 =	simm.s32 $0x15580;
	[smem:$0x7F4] =	sst s11  }
0x2e: {  	s2 =	sor.u32 $0x21400, s2;
	s22 =	simm.s32 $0x18780;
	[smem:$0x7F7] =	sst s17  }
0x2f: {  	s19 =	simm.s32 $0xCC00;
	s13 =	sadd.s32 s6, s0;
	[smem:$0x7F9] =	sst s22  }
0x30: {  	s2 =	sshrl.u32 s2, $0x3;
	s5 =	sadd.s32 s24, s0;
	[dreg:$0x14] =	wrdreg s13  }
0x31: {  	s6 =	sshrl.u32 s18, $0x3;
	s24 =	simm.s32 $0x1B980;
	[dreg:$0x19] =	wrdreg s5  }
0x32: {  	s23 =	simm.s32 $0x13000;
	s20 =	sadd.s32 s6, s0;
	[smem:$0x7FB] =	sst s24  }
0x33: {  	s21 =	simm.s32 $0xFE00;
	s5 =	simm.s32 $0x8D80;
	[dreg:$0x17] =	wrdreg s20  }
0x34: {  	s18 =	simm.s32 $0xB300;
	s13 =	simm.s32 $0x12380;
	[dreg:$0x1d] =	wrdreg s5  }
0x35: {  	s6 =	sshrl.u32 s25, $0x3;
	s25 =	simm.s32 $0x1D280;
	[smem:$0x7F5] =	sst s13  }
0x36: {  	s22 =	simm.s32 $0x11700;
	s26 =	sadd.s32 s6, s0;
	[smem:$0x7FC] =	sst s25  }
0x37: {  	s0 =	sadd.s32 s2, s0;
	s2 =	smax.u32 s4, $0x1;
	[dreg:$0x1a] =	wrdreg s26  }
0x38: {  	s11 =	simm.s32 $0x2;
	s24 =	simm.s32 $0x14900;
	[smem:$0x7F1] =	sst s2  }
0x39: {  	s4 =	simm.s32 $0x7480;
	s6 =	simm.s32 $0xA680;
	[dreg:$0x1b] =	wrdreg s0  }
0x3a: {  	s20 =	simm.s32 $0xE500;
	s25 =	simm.s32 $0x16200;
	[dreg:$0x1c] =	wrdreg s4  }
0x3b: {  	s5 =	simm.s32 $0x0;
	[dreg:$0x1e] =	wrdreg s6;
	s26 =	simm.s32 $0x1EB80  }
0x3c: {  	s0 =	simm.s32 $0x40;
	[smem:$0x7FD] =	sst s26;
	s26 =	simm.s32 $0x17B00  }
.LBB2_1:
0x3d: {  	s4 =	sld [smem:$0x7F0];
	_ =	sdelay $0x1  }
0x3e: {  	[smem:$0x7EF] =	sst s5;
	s2 =	simm.s32 $0x0;
	s15 =	simm.s32 $0x5  }
0x3f: {  	[tilespmem:s2], [sflag:$0x5] =	stream.linear.gather [hbm4b:s4+s2], $0x6800, $0x38;
	[tilespmem:$0x1F800] =	vst v63  }
0x40: {  	_ =	swait.ge [sflag:s15], $0x6800  }
0x41: {  	[sflag:s15] =	ssyncset.done $0x0  }
0x42: {  	[sflag:s15] =	ssyncadd.s32 $0xFFFF9800  }
0x43: {  	[tilespmem:s12], [sflag:$0x1] =	stream.indirect.gather [hbm4b:s3+s7], $0x40, s2, s7, $0xb8;
	[tilespmem:$0x1F800] =	vst v63  }
0x44: {  	s17 =	simm.s32 $0x68  }
0x45: {  	[tilespmem:s14], [sflag:$0x1] =	stream.indirect.gather [hbm4b:s3+s7], $0x40, s17, s7, $0xb8;
	[tilespmem:$0x1F800] =	vst v63  }
0x46: {  	s4 =	simm.s32 $0xD0  }
0x47: {  	[tilespmem:s16], [sflag:$0x1] =	stream.indirect.gather [hbm4b:s3+s7], $0x40, s4, s7, $0xb8;
	[tilespmem:$0x1F800] =	vst v63  }
0x48: {  	s5 =	simm.s32 $0x138  }
0x49: {  	[tilespmem:s18], [sflag:$0x1] =	stream.indirect.gather [hbm4b:s3+s7], $0x40, s5, s7, $0xb8;
	[tilespmem:$0x1F800] =	vst v63  }
0x4a: {  	s6 =	simm.s32 $0x1A0  }
0x4b: {  	[tilespmem:s19], [sflag:$0x1] =	stream.indirect.gather [hbm4b:s3+s7], $0x40, s6, s7, $0xb8;
	[tilespmem:$0x1F800] =	vst v63  }
0x4c: {  	s8 =	simm.s32 $0x208  }
0x4d: {  	[tilespmem:s20], [sflag:$0x1] =	stream.indirect.gather [hbm4b:s3+s7], $0x40, s8, s7, $0xb8;
	[tilespmem:$0x1F800] =	vst v63  }
0x4e: {  	s10 =	simm.s32 $0x270;
	p0 =	por $0x1, $0x1  }
0x4f: {  	[tilespmem:s21], [sflag:$0x1] =	stream.indirect.gather [hbm4b:s3+s7], $0x40, s10, s7, $0xb8;
	[tilespmem:$0x1F800] =	vst v63  }
0x50: {  	s13 =	simm.s32 $0x2D8;
	s2 =	simm.s32 @!p0 $0x4  }
0x51: {  	[tilespmem:s22], [sflag:$0x1] =	stream.indirect.gather [hbm4b:s3+s7], $0x40, s13, s7, $0xb8;
	[tilespmem:$0x1F800] =	vst v63  }
0x52: {  	_ =	swait.ge @!p0 [sflag:s2], $0xC800  }
0x53: {  	[sflag:s2] =	ssyncset.done @!p0 $0x0  }
0x54: {  	s15 =	simm.s32 $0x340;
	[sflag:s2] =	ssyncadd.s32 @!p0 $0xFFFF3800  }
0x55: {  	[tilespmem:s23], [sflag:$0x2] =	stream.indirect.gather [hbm4b:s3+s7], $0x40, s15, s7, $0xb8;
	[tilespmem:$0x1F800] =	vst v63  }
0x56: {  	s17 =	simm.s32 $0x3A8  }
0x57: {  	[tilespmem:s24], [sflag:$0x2] =	stream.indirect.gather [hbm4b:s3+s7], $0x40, s17, s7, $0xb8;
	[tilespmem:$0x1F800] =	vst v63  }
0x58: {  	s4 =	simm.s32 $0x410  }
0x59: {  	[tilespmem:s25], [sflag:$0x2] =	stream.indirect.gather [hbm4b:s3+s7], $0x40, s4, s7, $0xb8;
	[tilespmem:$0x1F800] =	vst v63  }
0x5a: {  	s5 =	simm.s32 $0x478  }
0x5b: {  	[tilespmem:s26], [sflag:$0x2] =	stream.indirect.gather [hbm4b:s3+s7], $0x40, s5, s7, $0xb8;
	[tilespmem:$0x1F800] =	vst v63  }
0x5c: {  	s6 =	simm.s32 $0x4E0  }
0x5d: {  	[tilespmem:s28], [sflag:$0x2] =	stream.indirect.gather [hbm4b:s3+s7], $0x40, s6, s7, $0xb8;
	[tilespmem:$0x1F800] =	vst v63  }
0x5e: {  	s8 =	simm.s32 $0x548  }
0x5f: {  	[tilespmem:s29], [sflag:$0x2] =	stream.indirect.gather [hbm4b:s3+s7], $0x40, s8, s7, $0xb8;
	[tilespmem:$0x1F800] =	vst v63  }
0x60: {  	s10 =	simm.s32 $0x5B0  }
0x61: {  	[tilespmem:s30], [sflag:$0x2] =	stream.indirect.gather [hbm4b:s3+s7], $0x40, s10, s7, $0xb8;
	[tilespmem:$0x1F800] =	vst v63  }
0x62: {  	s13 =	simm.s32 $0x618  }
0x63: {  	[tilespmem:s31], [sflag:$0x2] =	stream.indirect.gather [hbm4b:s3+s7], $0x40, s13, s7, $0xb8;
	[tilespmem:$0x1F800] =	vst v63  }
0x64: {  	_ =	swait.ge [sflag:s1], $0xC800  }
0x65: {  	s4 =	rddreg [dreg:$0xa]  }
0x66: {  	s5 =	rddreg [dreg:$0x8]  }
0x67: {  	s15 =	rddreg [dreg:$0xe]  }
0x68: {  	s6 =	rddreg [dreg:$0x4]  }
0x69: {  	[sflag:s1] =	ssyncset.done $0x0;
	s8 =	rddreg [dreg:$0xc]  }
0x6a: {  	s10 =	rddreg [dreg:$0x1c];
	[sflag:s1] =	ssyncadd.s32 $0xFFFF3800;
	s2 =	sadd.s32 $0x0, s15  }
0x6b: {  	[hbm4b:s2+s0] =	stream.strided.scatter [tilespmem:s12], [sflag:$0x3], $0xC80, s9, s0, $0x38;
	[tilespmem:$0x1F800] =	vst v63  }
0x6c: {  	s13 =	rddreg [dreg:$0x1d];
	s15 =	sadd.s32 $0x380, s2  }
0x6d: {  	[hbm4b:s15+s0] =	stream.strided.scatter [tilespmem:s10], [sflag:$0x3], $0xC80, s9, s0, $0x38;
	[tilespmem:$0x1F800] =	vst v63  }
0x6e: {  	s17 =	sadd.s32 $0x700, s2;
	s10 =	rddreg [dreg:$0xd]  }
0x6f: {  	[hbm4b:s17+s0] =	stream.strided.scatter [tilespmem:s14], [sflag:$0x3], $0xC80, s9, s0, $0x38;
	[tilespmem:$0x1F800] =	vst v63  }
0x70: {  	s15 =	rddreg [dreg:$0x1e];
	s17 =	sadd.s32 $0xA80, s2  }
0x71: {  	[hbm4b:s17+s0] =	stream.strided.scatter [tilespmem:s13], [sflag:$0x3], $0xC80, s9, s0, $0x38;
	[tilespmem:$0x1F800] =	vst v63  }
0x72: {  	s13 =	rddreg [dreg:$0xb];
	s17 =	sadd.s32 $0xE00, s2  }
0x73: {  	[hbm4b:s17+s0] =	stream.strided.scatter [tilespmem:s16], [sflag:$0x3], $0xC80, s9, s0, $0x38;
	[tilespmem:$0x1F800] =	vst v63  }
0x74: {  	s10 =	sadd.s32 $0x0, s10;
	s17 =	rddreg [dreg:$0x1f]  }
0x75: {  	[hbm4b:s10+s0] =	stream.strided.scatter [tilespmem:s15], [sflag:$0x3], $0xC80, s9, s0, $0x38;
	[tilespmem:$0x1F800] =	vst v63  }
0x76: {  	s8 =	sadd.s32 $0x0, s8;
	s10 =	rddreg [dreg:$0x9]  }
0x77: {  	[hbm4b:s8+s0] =	stream.strided.scatter [tilespmem:s18], [sflag:$0x3], $0xC80, s9, s0, $0x38;
	[tilespmem:$0x1F800] =	vst v63  }
0x78: {  	s15 =	sadd.s32 $0x0, s13;
	s13 =	sld [smem:$0x7F2]  }
0x79: {  	[hbm4b:s15+s0] =	stream.strided.scatter [tilespmem:s17], [sflag:$0x3], $0xC80, s9, s0, $0x38;
	[tilespmem:$0x1F800] =	vst v63  }
0x7a: {  	s4 =	sadd.s32 $0x0, s4;
	s15 =	rddreg [dreg:$0x7]  }
0x7b: {  	[hbm4b:s4+s0] =	stream.strided.scatter [tilespmem:s19], [sflag:$0x3], $0xC80, s9, s0, $0x38;
	[tilespmem:$0x1F800] =	vst v63  }
0x7c: {  	s17 =	sadd.s32 $0x0, s10;
	s19 =	sld [smem:$0x7F3]  }
0x7d: {  	[hbm4b:s17+s0] =	stream.strided.scatter [tilespmem:s13], [sflag:$0x3], $0xC80, s9, s0, $0x38;
	[tilespmem:$0x1F800] =	vst v63  }
0x7e: {  	s5 =	sadd.s32 $0x0, s5;
	s13 =	rddreg [dreg:$0x6]  }
0x7f: {  	[hbm4b:s5+s0] =	stream.strided.scatter [tilespmem:s20], [sflag:$0x3], $0xC80, s9, s0, $0x38;
	[tilespmem:$0x1F800] =	vst v63  }
0x80: {  	s15 =	sadd.s32 $0x0, s15;
	s17 =	rddreg [dreg:$0x5]  }
0x81: {  	[hbm4b:s15+s0] =	stream.strided.scatter [tilespmem:s19], [sflag:$0x3], $0xC80, s9, s0, $0x38;
	[tilespmem:$0x1F800] =	vst v63  }
0x82: {  	s20 =	sld [smem:$0x7F4];
	s19 =	sadd.s32 $0x0, s13  }
0x83: {  	[hbm4b:s19+s0] =	stream.strided.scatter [tilespmem:s21], [sflag:$0x3], $0xC80, s9, s0, $0x38;
	[tilespmem:$0x1F800] =	vst v63  }
0x84: {  	s10 =	sadd.s32 $0x0, s17;
	s17 =	sld [smem:$0x7F5]  }
0x85: {  	[hbm4b:s10+s0] =	stream.strided.scatter [tilespmem:s20], [sflag:$0x3], $0xC80, s9, s0, $0x38;
	[tilespmem:$0x1F800] =	vst v63  }
0x86: {  	p0 =	por $0x0, $0x0;
	s13 =	rddreg [dreg:$0x3];
	s15 =	sadd.s32 $0x0, s6  }
0x87: {  	[hbm4b:s15+s0] =	stream.strided.scatter [tilespmem:s22], [sflag:$0x3], $0xC80, s9, s0, $0x38;
	[tilespmem:$0x1F800] =	vst v63  }
0x88: {  	s6 =	simm.s32 @!p0 $0x3;
	s19 =	sadd.s32 $0x0, s13  }
0x89: {  	[hbm4b:s19+s0] =	stream.strided.scatter [tilespmem:s17], [sflag:$0x3], $0xC80, s9, s0, $0x38;
	[tilespmem:$0x1F800] =	vst v63  }
0x8a: {  	_ =	swait.ge @!p0 [sflag:s6], $0xC800  }
0x8b: {  	s8 =	simm.s32 @!p0 $0x6800;
	[sflag:s6] =	ssyncset.done @!p0 $0x0  }
0x8c: {  	s4 =	simm.s32 @!p0 $0x680;
	s5 =	simm.s32 @!p0 $0x64;
	[sflag:s6] =	ssyncadd.s32 @!p0 $0xFFFF3800  }
0x8d: {  	[tilespmem:s8], [sflag:$0x1] =	stream.indirect.gather @!p0 [hbm4b:s3+s5], $0x40, s4, s5, $0xb8;
	[tilespmem:$0x1F800] =	vst v63  }
0x8e: {  	s6 =	simm.s32 @!p0 $0x8100;
	s4 =	simm.s32 @!p0 $0x6E8  }
0x8f: {  	[tilespmem:s6], [sflag:$0x1] =	stream.indirect.gather @!p0 [hbm4b:s3+s5], $0x40, s4, s5, $0xb8;
	[tilespmem:$0x1F800] =	vst v63  }
0x90: {  	s4 =	simm.s32 @!p0 $0x750;
	s6 =	simm.s32 @!p0 $0x9A00  }
0x91: {  	[tilespmem:s6], [sflag:$0x1] =	stream.indirect.gather @!p0 [hbm4b:s3+s5], $0x40, s4, s5, $0xb8;
	[tilespmem:$0x1F800] =	vst v63  }
0x92: {  	s4 =	simm.s32 @!p0 $0x7B8;
	s6 =	simm.s32 @!p0 $0xB300  }
0x93: {  	[tilespmem:s6], [sflag:$0x1] =	stream.indirect.gather @!p0 [hbm4b:s3+s5], $0x40, s4, s5, $0xb8;
	[tilespmem:$0x1F800] =	vst v63  }
0x94: {  	s4 =	simm.s32 @!p0 $0x820;
	s6 =	simm.s32 @!p0 $0xCC00  }
0x95: {  	[tilespmem:s6], [sflag:$0x1] =	stream.indirect.gather @!p0 [hbm4b:s3+s5], $0x40, s4, s5, $0xb8;
	[tilespmem:$0x1F800] =	vst v63  }
0x96: {  	s4 =	simm.s32 @!p0 $0x888;
	s6 =	simm.s32 @!p0 $0xE500  }
0x97: {  	[tilespmem:s6], [sflag:$0x1] =	stream.indirect.gather @!p0 [hbm4b:s3+s5], $0x40, s4, s5, $0xb8;
	[tilespmem:$0x1F800] =	vst v63  }
0x98: {  	s4 =	simm.s32 @!p0 $0x8F0;
	s6 =	simm.s32 @!p0 $0xFE00  }
0x99: {  	[tilespmem:s6], [sflag:$0x1] =	stream.indirect.gather @!p0 [hbm4b:s3+s5], $0x40, s4, s5, $0xb8;
	[tilespmem:$0x1F800] =	vst v63  }
0x9a: {  	s4 =	simm.s32 $0x958;
	s6 =	simm.s32 @!p0 $0x11700  }
0x9b: {  	[tilespmem:s6], [sflag:$0x1] =	stream.indirect.gather @!p0 [hbm4b:s3+s5], $0x40, s4, s5, $0xb8;
	[tilespmem:$0x1F800] =	vst v63  }
0x9c: {  	_ =	swait.ge [sflag:s11], $0xC800  }
0x9d: {  	s4 =	rddreg [dreg:$0x1b]  }
0x9e: {  	s6 =	rddreg [dreg:$0x1a]  }
0x9f: {  	s8 =	rddreg [dreg:$0x19]  }
0xa0: {  	s10 =	rddreg [dreg:$0x18]  }
0xa1: {  	s13 =	sld [smem:$0x7F7]  }
0xa2: {  	s15 =	rddreg [dreg:$0x17]  }
0xa3: {  	[sflag:s11] =	ssyncset.done $0x0;
	s5 =	sld [smem:$0x7F6]  }
0xa4: {  	s20 =	sadd.s32 $0x3800, s2;
	s17 =	rddreg [dreg:$0x16];
	[sflag:s11] =	ssyncadd.s32 $0xFFFF3800  }
0xa5: {  	[hbm4b:s20+s0] =	stream.strided.scatter [tilespmem:s23], [sflag:$0x4], $0xC80, s9, s0, $0x38;
	[tilespmem:$0x1F800] =	vst v63  }
0xa6: {  	s21 =	sadd.s32 $0x3B80, s2;
	s19 =	rddreg [dreg:$0x15]  }
0xa7: {  	[hbm4b:s21+s0] =	stream.strided.scatter [tilespmem:s5], [sflag:$0x4], $0xC80, s9, s0, $0x38;
	[tilespmem:$0x1F800] =	vst v63  }
0xa8: {  	s2 =	sadd.s32 $0x3F00, s2;
	s5 =	rddreg [dreg:$0x14]  }
0xa9: {  	[hbm4b:s2+s0] =	stream.strided.scatter [tilespmem:s24], [sflag:$0x4], $0xC80, s9, s0, $0x38;
	[tilespmem:$0x1F800] =	vst v63  }
0xaa: {  	s21 =	sadd.s32 $0x0, s4;
	s4 =	rddreg [dreg:$0x13]  }
0xab: {  	[hbm4b:s21+s0] =	stream.strided.scatter [tilespmem:s13], [sflag:$0x4], $0xC80, s9, s0, $0x38;
	[tilespmem:$0x1F800] =	vst v63  }
0xac: {  	s6 =	sadd.s32 $0x0, s6;
	s13 =	sld [smem:$0x7F8]  }
0xad: {  	s21 =	sadd.s32 $0x0, s8;
	s8 =	sadd.s32 $0x0, s10;
	s10 =	sld [smem:$0x7F9]  }
0xae: {  	[hbm4b:s6+s0] =	stream.strided.scatter [tilespmem:s25], [sflag:$0x4], $0xC80, s9, s0, $0x38;
	[tilespmem:$0x1F800] =	vst v63  }
0xaf: {  	s6 =	rddreg [dreg:$0x12]  }
0xb0: {  	[hbm4b:s21+s0] =	stream.strided.scatter [tilespmem:s13], [sflag:$0x4], $0xC80, s9, s0, $0x38;
	[tilespmem:$0x1F800] =	vst v63  }
0xb1: {  	s13 =	rddreg [dreg:$0x11]  }
0xb2: {  	s21 =	sadd.s32 $0x0, s17;
	s17 =	rddreg [dreg:$0xf]  }
0xb3: {  	[hbm4b:s8+s0] =	stream.strided.scatter [tilespmem:s26], [sflag:$0x4], $0xC80, s9, s0, $0x38;
	[tilespmem:$0x1F800] =	vst v63  }
0xb4: {  	s22 =	simm.s32 $0xFE00;
	s15 =	sadd.s32 $0x0, s15;
	s8 =	sld [smem:$0x7FA]  }
0xb5: {  	[hbm4b:s15+s0] =	stream.strided.scatter [tilespmem:s10], [sflag:$0x4], $0xC80, s9, s0, $0x38;
	[tilespmem:$0x1F800] =	vst v63  }
0xb6: {  	s20 =	simm.s32 $0x11700;
	s2 =	simm.s32 $0xFD8;
	s15 =	rddreg [dreg:$0x10]  }
0xb7: {  	[hbm4b:s21+s0] =	stream.strided.scatter [tilespmem:s28], [sflag:$0x4], $0xC80, s9, s0, $0x38;
	[tilespmem:$0x1F800] =	vst v63  }
0xb8: {  	s10 =	sadd.s32 $0x0, s19;
	s19 =	simm.s32 $0x0;
	s21 =	simm.s32 $0x7000  }
.LBB2_2:
0xb9: {  	[hbm4b:s10+s0] =	stream.strided.scatter [tilespmem:s8], [sflag:$0x4], $0xC80, s9, s0, $0x38;
	[tilespmem:$0x1F800] =	vst v63  }
0xba: {  	s5 =	sadd.s32 s19, s5;
	s10 =	sld [smem:$0x7FB]  }
0xbb: {  	[hbm4b:s5+s0] =	stream.strided.scatter [tilespmem:s29], [sflag:$0x4], $0xC80, s9, s0, $0x38;
	[tilespmem:$0x1F800] =	vst v63  }
0xbc: {  	s4 =	sadd.s32 s19, s4  }
0xbd: {  	[hbm4b:s4+s0] =	stream.strided.scatter [tilespmem:s10], [sflag:$0x4], $0xC80, s9, s0, $0x38;
	[tilespmem:$0x1F800] =	vst v63  }
0xbe: {  	s6 =	sadd.s32 s19, s6;
	s10 =	sld [smem:$0x7FC]  }
0xbf: {  	[hbm4b:s6+s0] =	stream.strided.scatter [tilespmem:s30], [sflag:$0x4], $0xC80, s9, s0, $0x38;
	[tilespmem:$0x1F800] =	vst v63  }
0xc0: {  	s13 =	sadd.s32 s19, s13;
	s8 =	smov.u32 s21  }
0xc1: {  	[hbm4b:s13+s0] =	stream.strided.scatter [tilespmem:s10], [sflag:$0x4], $0xC80, s9, s0, $0x38;
	[tilespmem:$0x1F800] =	vst v63  }
0xc2: {  	p1 =	seq.s32 s8, $0x0;
	s5 =	sadd.s32 s19, s15;
	s6 =	sld [smem:$0x7FD]  }
0xc3: {  	[hbm4b:s5+s0] =	stream.strided.scatter [tilespmem:s31], [sflag:$0x4], $0xC80, s9, s0, $0x38;
	[tilespmem:$0x1F800] =	vst v63  }
0xc4: {  	s4 =	simm.s32 @!p1 $0x4;
	s10 =	sadd.s32 s19, s17  }
0xc5: {  	[hbm4b:s10+s0] =	stream.strided.scatter [tilespmem:s6], [sflag:$0x4], $0xC80, s9, s0, $0x38;
	[tilespmem:$0x1F800] =	vst v63  }
0xc6: {  	_ =	swait.ge @!p1 [sflag:s4], $0xC800  }
0xc7: {  	[sflag:s4] =	ssyncset.done @!p1 $0x0  }
0xc8: {  	s13 =	sadd.s32 $0xFFFFF9E8, s2;
	[sflag:s4] =	ssyncadd.s32 @!p1 $0xFFFF3800  }
0xc9: {  	[tilespmem:s23], [sflag:$0x2] =	stream.indirect.gather [hbm4b:s3+s7], $0x40, s13, s7, $0xb8;
	[tilespmem:$0x1F800] =	vst v63  }
0xca: {  	s15 =	sadd.s32 $0xFFFFFA50, s2  }
0xcb: {  	[tilespmem:s24], [sflag:$0x2] =	stream.indirect.gather [hbm4b:s3+s7], $0x40, s15, s7, $0xb8;
	[tilespmem:$0x1F800] =	vst v63  }
0xcc: {  	s17 =	sadd.s32 $0xFFFFFAB8, s2  }
0xcd: {  	[tilespmem:s25], [sflag:$0x2] =	stream.indirect.gather [hbm4b:s3+s7], $0x40, s17, s7, $0xb8;
	[tilespmem:$0x1F800] =	vst v63  }
0xce: {  	s5 =	sadd.s32 $0xFFFFFB20, s2  }
0xcf: {  	[tilespmem:s26], [sflag:$0x2] =	stream.indirect.gather [hbm4b:s3+s7], $0x40, s5, s7, $0xb8;
	[tilespmem:$0x1F800] =	vst v63  }
0xd0: {  	s6 =	sadd.s32 $0xFFFFFB88, s2  }
0xd1: {  	[tilespmem:s28], [sflag:$0x2] =	stream.indirect.gather [hbm4b:s3+s7], $0x40, s6, s7, $0xb8;
	[tilespmem:$0x1F800] =	vst v63  }
0xd2: {  	s19 =	smov.u32 s8;
	s8 =	sadd.s32 $0xFFFFFBF0, s2  }
0xd3: {  	[tilespmem:s29], [sflag:$0x2] =	stream.indirect.gather [hbm4b:s3+s7], $0x40, s8, s7, $0xb8;
	[tilespmem:$0x1F800] =	vst v63  }
0xd4: {  	s10 =	sadd.s32 $0xFFFFFC58, s2  }
0xd5: {  	[tilespmem:s30], [sflag:$0x2] =	stream.indirect.gather [hbm4b:s3+s7], $0x40, s10, s7, $0xb8;
	[tilespmem:$0x1F800] =	vst v63  }
0xd6: {  	s13 =	sadd.s32 $0xFFFFFCC0, s2  }
0xd7: {  	[tilespmem:s31], [sflag:$0x2] =	stream.indirect.gather [hbm4b:s3+s7], $0x40, s13, s7, $0xb8;
	[tilespmem:$0x1F800] =	vst v63  }
0xd8: {  	_ =	swait.ge [sflag:s1], $0xC800  }
0xd9: {  	s6 =	rddreg [dreg:$0xa]  }
0xda: {  	s8 =	rddreg [dreg:$0x8]  }
0xdb: {  	s15 =	rddreg [dreg:$0xe]  }
0xdc: {  	s5 =	rddreg [dreg:$0x4]  }
0xdd: {  	[sflag:s1] =	ssyncset.done $0x0;
	s10 =	rddreg [dreg:$0xc]  }
0xde: {  	s13 =	rddreg [dreg:$0x1c];
	[sflag:s1] =	ssyncadd.s32 $0xFFFF3800;
	s4 =	sadd.s32 s19, s15  }
0xdf: {  	[hbm4b:s4+s0] =	stream.strided.scatter [tilespmem:s12], [sflag:$0x3], $0xC80, s9, s0, $0x38;
	[tilespmem:$0x1F800] =	vst v63  }
0xe0: {  	s15 =	rddreg [dreg:$0x1d];
	s17 =	sadd.s32 $0x380, s4  }
0xe1: {  	[hbm4b:s17+s0] =	stream.strided.scatter [tilespmem:s13], [sflag:$0x3], $0xC80, s9, s0, $0x38;
	[tilespmem:$0x1F800] =	vst v63  }
0xe2: {  	s12 =	rddreg [dreg:$0xd];
	s13 =	sadd.s32 $0x700, s4  }
0xe3: {  	[hbm4b:s13+s0] =	stream.strided.scatter [tilespmem:s14], [sflag:$0x3], $0xC80, s9, s0, $0x38;
	[tilespmem:$0x1F800] =	vst v63  }
0xe4: {  	s17 =	rddreg [dreg:$0x1e];
	s13 =	sadd.s32 $0xA80, s4  }
0xe5: {  	[hbm4b:s13+s0] =	stream.strided.scatter [tilespmem:s15], [sflag:$0x3], $0xC80, s9, s0, $0x38;
	[tilespmem:$0x1F800] =	vst v63  }
0xe6: {  	s14 =	rddreg [dreg:$0xb];
	s13 =	sadd.s32 $0xE00, s4  }
0xe7: {  	[hbm4b:s13+s0] =	stream.strided.scatter [tilespmem:s16], [sflag:$0x3], $0xC80, s9, s0, $0x38;
	[tilespmem:$0x1F800] =	vst v63  }
0xe8: {  	s12 =	sadd.s32 s19, s12;
	s15 =	rddreg [dreg:$0x1f]  }
0xe9: {  	[hbm4b:s12+s0] =	stream.strided.scatter [tilespmem:s17], [sflag:$0x3], $0xC80, s9, s0, $0x38;
	[tilespmem:$0x1F800] =	vst v63  }
0xea: {  	s10 =	sadd.s32 s19, s10;
	s16 =	rddreg [dreg:$0x9]  }
0xeb: {  	[hbm4b:s10+s0] =	stream.strided.scatter [tilespmem:s18], [sflag:$0x3], $0xC80, s9, s0, $0x38;
	[tilespmem:$0x1F800] =	vst v63  }
0xec: {  	s6 =	sadd.s32 s19, s6;
	s13 =	sadd.s32 s19, s14;
	s12 =	sld [smem:$0x7F2]  }
0xed: {  	[hbm4b:s13+s0] =	stream.strided.scatter [tilespmem:s15], [sflag:$0x3], $0xC80, s9, s0, $0x38;
	[tilespmem:$0x1F800] =	vst v63  }
0xee: {  	s17 =	simm.s32 $0xCC00;
	s10 =	sadd.s32 s19, s16;
	s16 =	rddreg [dreg:$0x7]  }
0xef: {  	[hbm4b:s6+s0] =	stream.strided.scatter [tilespmem:s17], [sflag:$0x3], $0xC80, s9, s0, $0x38;
	[tilespmem:$0x1F800] =	vst v63  }
0xf0: {  	s8 =	sadd.s32 s19, s8;
	s18 =	rddreg [dreg:$0x6]  }
0xf1: {  	[hbm4b:s10+s0] =	stream.strided.scatter [tilespmem:s12], [sflag:$0x3], $0xC80, s9, s0, $0x38;
	[tilespmem:$0x1F800] =	vst v63  }
0xf2: {  	s13 =	sld [smem:$0x7F3];
	s6 =	sadd.s32 s19, s16;
	s16 =	simm.s32 $0xE500  }
0xf3: {  	[hbm4b:s8+s0] =	stream.strided.scatter [tilespmem:s16], [sflag:$0x3], $0xC80, s9, s0, $0x38;
	[tilespmem:$0x1F800] =	vst v63  }
0xf4: {  	s15 =	rddreg [dreg:$0x5]  }
0xf5: {  	[hbm4b:s6+s0] =	stream.strided.scatter [tilespmem:s13], [sflag:$0x3], $0xC80, s9, s0, $0x38;
	[tilespmem:$0x1F800] =	vst v63  }
0xf6: {  	s17 =	sadd.s32 s19, s18;
	s18 =	sld [smem:$0x7F4]  }
0xf7: {  	[hbm4b:s17+s0] =	stream.strided.scatter [tilespmem:s22], [sflag:$0x3], $0xC80, s9, s0, $0x38;
	[tilespmem:$0x1F800] =	vst v63  }
0xf8: {  	s14 =	sld [smem:$0x7F5];
	s10 =	sadd.s32 s19, s15  }
0xf9: {  	[hbm4b:s10+s0] =	stream.strided.scatter [tilespmem:s18], [sflag:$0x3], $0xC80, s9, s0, $0x38;
	[tilespmem:$0x1F800] =	vst v63  }
0xfa: {  	p1 =	seq.s32 s19, $0x69000;
	s5 =	sadd.s32 s19, s5;
	s13 =	rddreg [dreg:$0x3]  }
0xfb: {  	[hbm4b:s5+s0] =	stream.strided.scatter [tilespmem:s20], [sflag:$0x3], $0xC80, s9, s0, $0x38;
	[tilespmem:$0x1F800] =	vst v63  }
0xfc: {  	s15 =	sadd.s32 s19, s13;
	s5 =	simm.s32 @!p1 $0x3  }
0xfd: {  	[hbm4b:s15+s0] =	stream.strided.scatter [tilespmem:s14], [sflag:$0x3], $0xC80, s9, s0, $0x38;
	[tilespmem:$0x1F800] =	vst v63  }
0xfe: {  	_ =	swait.ge @!p1 [sflag:s5], $0xC800  }
0xff: {  	s8 =	simm.s32 @!p1 $0x64;
	[sflag:s5] =	ssyncset.done @!p1 $0x0  }
0x100: {  	s6 =	sadd.s32 @!p1 $0xFFFFFD28, s2;
	s10 =	simm.s32 @!p1 $0x6800;
	[sflag:s5] =	ssyncadd.s32 @!p1 $0xFFFF3800  }
0x101: {  	[tilespmem:s10], [sflag:$0x1] =	stream.indirect.gather @!p1 [hbm4b:s3+s8], $0x40, s6, s8, $0xb8;
	[tilespmem:$0x1F800] =	vst v63  }
0x102: {  	s12 =	simm.s32 @!p1 $0x8100;
	s5 =	sadd.s32 @!p1 $0xFFFFFD90, s2  }
0x103: {  	[tilespmem:s12], [sflag:$0x1] =	stream.indirect.gather @!p1 [hbm4b:s3+s8], $0x40, s5, s8, $0xb8;
	[tilespmem:$0x1F800] =	vst v63  }
0x104: {  	s6 =	sadd.s32 @!p1 $0xFFFFFDF8, s2;
	s10 =	simm.s32 @!p1 $0x9A00  }
0x105: {  	[tilespmem:s10], [sflag:$0x1] =	stream.indirect.gather @!p1 [hbm4b:s3+s8], $0x40, s6, s8, $0xb8;
	[tilespmem:$0x1F800] =	vst v63  }
0x106: {  	s5 =	sadd.s32 @!p1 $0xFFFFFE60, s2;
	s12 =	simm.s32 @!p1 $0xB300  }
0x107: {  	[tilespmem:s12], [sflag:$0x1] =	stream.indirect.gather @!p1 [hbm4b:s3+s8], $0x40, s5, s8, $0xb8;
	[tilespmem:$0x1F800] =	vst v63  }
0x108: {  	s6 =	sadd.s32 @!p1 $0xFFFFFEC8, s2;
	s10 =	simm.s32 @!p1 $0xCC00  }
0x109: {  	[tilespmem:s10], [sflag:$0x1] =	stream.indirect.gather @!p1 [hbm4b:s3+s8], $0x40, s6, s8, $0xb8;
	[tilespmem:$0x1F800] =	vst v63  }
0x10a: {  	s5 =	sadd.s32 @!p1 $0xFFFFFF30, s2;
	s12 =	simm.s32 @!p1 $0xE500  }
0x10b: {  	[tilespmem:s12], [sflag:$0x1] =	stream.indirect.gather @!p1 [hbm4b:s3+s8], $0x40, s5, s8, $0xb8;
	[tilespmem:$0x1F800] =	vst v63  }
0x10c: {  	s6 =	sadd.s32 @!p1 $0xFFFFFF98, s2;
	s10 =	simm.s32 @!p1 $0xFE00  }
0x10d: {  	[tilespmem:s10], [sflag:$0x1] =	stream.indirect.gather @!p1 [hbm4b:s3+s8], $0x40, s6, s8, $0xb8;
	[tilespmem:$0x1F800] =	vst v63  }
0x10e: {  	s5 =	simm.s32 @!p1 $0x11700  }
0x10f: {  	[tilespmem:s5], [sflag:$0x1] =	stream.indirect.gather @!p1 [hbm4b:s3+s8], $0x40, s2, s8, $0xb8;
	[tilespmem:$0x1F800] =	vst v63  }
0x110: {  	_ =	swait.ge [sflag:s11], $0xC800  }
0x111: {  	s16 =	rddreg [dreg:$0x1b]  }
0x112: {  	s18 =	rddreg [dreg:$0x1a]  }
0x113: {  	s10 =	rddreg [dreg:$0x19]  }
0x114: {  	s12 =	rddreg [dreg:$0x18]  }
0x115: {  	s13 =	sld [smem:$0x7F7]  }
0x116: {  	s14 =	rddreg [dreg:$0x17]  }
0x117: {  	s6 =	sld [smem:$0x7F6]  }
0x118: {  	s17 =	sadd.s32 $0x3800, s4;
	[sflag:s11] =	ssyncset.done $0x0;
	s5 =	rddreg [dreg:$0x14]  }
0x119: {  	[sflag:s11] =	ssyncadd.s32 $0xFFFF3800;
	s15 =	sadd.s32 s19, s16;
	s16 =	rddreg [dreg:$0x15]  }
0x11a: {  	[hbm4b:s17+s0] =	stream.strided.scatter [tilespmem:s23], [sflag:$0x4], $0xC80, s9, s0, $0x38;
	[tilespmem:$0x1F800] =	vst v63  }
0x11b: {  	s8 =	sadd.s32 s19, s18;
	s18 =	sadd.s32 $0x3B80, s4;
	s17 =	rddreg [dreg:$0x16]  }
0x11c: {  	[hbm4b:s18+s0] =	stream.strided.scatter [tilespmem:s6], [sflag:$0x4], $0xC80, s9, s0, $0x38;
	[tilespmem:$0x1F800] =	vst v63  }
0x11d: {  	s6 =	sadd.s32 $0x3F00, s4;
	s4 =	rddreg [dreg:$0x13]  }
0x11e: {  	[hbm4b:s6+s0] =	stream.strided.scatter [tilespmem:s24], [sflag:$0x4], $0xC80, s9, s0, $0x38;
	[tilespmem:$0x1F800] =	vst v63  }
0x11f: {  	s21 =	sadd.s32 $0x7000, s21;
	s6 =	rddreg [dreg:$0x12]  }
0x120: {  	[hbm4b:s15+s0] =	stream.strided.scatter [tilespmem:s13], [sflag:$0x4], $0xC80, s9, s0, $0x38;
	[tilespmem:$0x1F800] =	vst v63  }
0x121: {  	p0 =	sne.s32 s21, $0x70000;
	s2 =	sadd.s32 $0x680, s2;
	s15 =	sld [smem:$0x7F8]  }
0x122: {  	[hbm4b:s8+s0] =	stream.strided.scatter [tilespmem:s25], [sflag:$0x4], $0xC80, s9, s0, $0x38;
	[tilespmem:$0x1F800] =	vst v63  }
0x123: {  	s10 =	sadd.s32 s19, s10;
	s17 =	sadd.s32 s19, s17;
	s13 =	rddreg [dreg:$0x11]  }
0x124: {  	[hbm4b:s10+s0] =	stream.strided.scatter [tilespmem:s15], [sflag:$0x4], $0xC80, s9, s0, $0x38;
	[tilespmem:$0x1F800] =	vst v63  }
0x125: {  	s18 =	simm.s32 $0xB300;
	s15 =	sadd.s32 s19, s12;
	s10 =	sld [smem:$0x7F9]  }
0x126: {  	[hbm4b:s15+s0] =	stream.strided.scatter [tilespmem:s26], [sflag:$0x4], $0xC80, s9, s0, $0x38;
	[tilespmem:$0x1F800] =	vst v63  }
.Ltmp0:
0x127: {  	s8 =	sadd.s32 s19, s14;
	s15 =	rddreg [dreg:$0x10];
	(pc) =	sbr.rel @p0 .LBB2_2-.Ltmp0, $4  }
0x128: {  	[hbm4b:s8+s0] =	stream.strided.scatter [tilespmem:s10], [sflag:$0x4], $0xC80, s9, s0, $0x38;
	[tilespmem:$0x1F800] =	vst v63  }
0x129: {  	s14 =	simm.s32 $0x8100;
	s12 =	simm.s32 $0x6800;
	s8 =	sld [smem:$0x7FA]  }
0x12a: {  	[hbm4b:s17+s0] =	stream.strided.scatter [tilespmem:s28], [sflag:$0x4], $0xC80, s9, s0, $0x38;
	[tilespmem:$0x1F800] =	vst v63  }
0x12b: {  	s10 =	sadd.s32 s19, s16;
	s16 =	simm.s32 $0x9A00;
	s17 =	rddreg [dreg:$0xf]  }
0x12c: {  	[hbm4b:s10+s0] =	stream.strided.scatter [tilespmem:s8], [sflag:$0x4], $0xC80, s9, s0, $0x38;
	[tilespmem:$0x1F800] =	vst v63  }
0x12d: {  	s2 =	sadd.s32 s19, s5;
	s22 =	sld [smem:$0x7FB]  }
0x12e: {  	[hbm4b:s2+s0] =	stream.strided.scatter [tilespmem:s29], [sflag:$0x4], $0xC80, s9, s0, $0x38;
	[tilespmem:$0x1F800] =	vst v63  }
0x12f: {  	s4 =	sadd.s32 s19, s4  }
0x130: {  	[hbm4b:s4+s0] =	stream.strided.scatter [tilespmem:s22], [sflag:$0x4], $0xC80, s9, s0, $0x38;
	[tilespmem:$0x1F800] =	vst v63  }
0x131: {  	s6 =	sadd.s32 s19, s6;
	s8 =	sld [smem:$0x7FC]  }
0x132: {  	[hbm4b:s6+s0] =	stream.strided.scatter [tilespmem:s30], [sflag:$0x4], $0xC80, s9, s0, $0x38;
	[tilespmem:$0x1F800] =	vst v63  }
0x133: {  	s10 =	sadd.s32 s19, s13  }
0x134: {  	[hbm4b:s10+s0] =	stream.strided.scatter [tilespmem:s8], [sflag:$0x4], $0xC80, s9, s0, $0x38;
	[tilespmem:$0x1F800] =	vst v63  }
0x135: {  	s13 =	sadd.s32 s19, s15;
	s15 =	sld [smem:$0x7FD]  }
0x136: {  	[hbm4b:s13+s0] =	stream.strided.scatter [tilespmem:s31], [sflag:$0x4], $0xC80, s9, s0, $0x38;
	[tilespmem:$0x1F800] =	vst v63  }
0x137: {  	s17 =	sadd.s32 s19, s17;
	s19 =	simm.s32 $0x3  }
0x138: {  	[hbm4b:s17+s0] =	stream.strided.scatter [tilespmem:s15], [sflag:$0x4], $0xC80, s9, s0, $0x38;
	[tilespmem:$0x1F800] =	vst v63  }
0x139: {  	_ =	swait.ge [sflag:s19], $0xC800  }
0x13a: {  	[sflag:s19] =	ssyncset.done $0x0  }
0x13b: {  	s20 =	simm.s32 $0x4;
	[sflag:s19] =	ssyncadd.s32 $0xFFFF3800  }
0x13c: {  	_ =	swait.ge [sflag:s20], $0xC800  }
0x13d: {  	s21 =	sld [smem:$0x7EF]  }
0x13e: {  	s22 =	sld [smem:$0x7F1];
	_ =	sdelay $0x1  }
0x13f: {  	s5 =	sadd.s32 $0x1, s21  }
0x140: {  	p0 =	sne.s32 s5, s22  }
.Ltmp1:
0x141: {  	_ = 	snop;
	(pc) =	sbr.rel @p0 .LBB2_1-.Ltmp1, $4  }
0x142: {  	_ = 	snop  }
0x143: {  	[sflag:s20] =	ssyncset.done $0x0  }
0x144: {  	s19 =	simm.s32 $0xCC00;
	[sflag:s20] =	ssyncadd.s32 $0xFFFF3800  }
0x145: {  	s20 =	simm.s32 $0xE500;
	s21 =	simm.s32 $0xFE00;
	s22 =	simm.s32 $0x11700  }
0x146: {  	_ =	sfence.sel $0x180000  }
0x147: {  	[bflag:$0x0] =	sbarrier.arrive $0xFFFF  }
0x148: {  	_ =	strace $0x90000047  }
0x149: {  	s0 =	stileid.u32;
	[bflag:$0x2] =	sbarrier.arrive $0xFFFF  }
0x14a: {  	p0 =	sne.s32 s0, $0x0;
	s0 =	rddreg [dreg:$0x2]  }
0x14b: {  	s0 =	sadd.s32 @!p0 $0x100000, s0  }
0x14c: {  	[sflag:s0] =	ssyncadd.tile.s32 @!p0 $0x1;
	_ =	shalt  }
.Lfunc_end2:
_tile_overlayer_lowered:
.L_overlay_start_2:
0x14d: {  	(tag) =	ssettag $0x2  }
0x14e: {  	s0 =	rddreg [dreg:$0x0];
	s2 =	stileid.u32  }
0x14f: {  	s1 =	rddreg [dreg:$0x1];
	p0 =	sne.s32 s2, $0x0  }
0x150: {  	s3 =	rddreg [dreg:$0x2];
	[bflag:$0x3] =	sbarrier.arrive $0xFFFF;
	s2 =	simm.s32 @!p0 $0x1C05  }
0x151: {  	[timem:s3], [sflag:s2] =	dma.local @!p0 [hbm:s0], s1  }
0x152: {  	s0 =	simm.s32 @!p0 $0x5  }
0x153: {  	_ =	swait.ge @!p0 [sflag:s0], s1  }
0x154: {  	s1 =	ssub.s32 @!p0 $0x0, s1;
	[sflag:s0] =	ssyncset.done @!p0 $0x0  }
0x155: {  	[sflag:s0] =	ssyncadd.s32 @!p0 s1  }
0x156: {  	[bflag:$0x3] =	sbarrier.arrive $0xFFFF  }
0x157: {  	_ =	shalt  }

</sc_bundles>
